<compile_context>
chip_gen: v7x
topology: tpu7x:2x2x1
jax: 0.10.2.dev20260603
libtpu: 0.0.44.dev20260713+nightly
codegen_flags: <defaults>
</compile_context>

<pallas_src>
import functools

import jax
import jax.numpy as jnp
from jax import lax
from jax.experimental import pallas as pl
from jax.experimental.pallas import tpu as pltpu
from jax.experimental.pallas import tpu_sc as plsc

_N = 10000
_E = 320000
_D = 128
_HID = 128
_NCOMM = 64
_Q = 512

_W = 128
_CH = _E // _W
_NS = 16
_CH_BASE = _CH // _NS
_CH_REM = _CH % _NS
_ROW_BLK = 624
_LAST_BLK = _N - (_NS - 1) * _ROW_BLK

_mesh = plsc.VectorSubcoreMesh(core_axis_name="c", subcore_axis_name="s")

_EH = _E // 2
_CH2 = _EH // _W
_CH2_BASE = _CH2 // _NS
_CH2_REM = _CH2 % _NS


_KB = 64

_SCRATCH = [
    pltpu.VMEM((_KB, 2, _W), jnp.int32),
    pltpu.VMEM((_W, _D), jnp.float32),
    pltpu.VMEM((_W, _D), jnp.float32),
    pltpu.VMEM_SHARED((_N, _D), jnp.float32),
    pltpu.SemaphoreType.DMA,
    pltpu.SemaphoreType.DMA,
]


def _block_loop(idx_hbm, tab_hbm, acc, islab, r0, m0, r1, m1, lo, n_ch):
    n_blk = (n_ch + _KB - 1) // _KB

    def blk_body(b, carry):
        pltpu.sync_copy(idx_hbm.at[pl.ds(lo + b * _KB, _KB)], islab)
        nb = jnp.minimum(n_ch - b * _KB, _KB)
        _pipe_loop(tab_hbm, acc, islab, r0, m0, r1, m1, nb)
        return carry

    lax.fori_loop(0, n_blk, blk_body, 0)


def _pipe_loop(tab_hbm, acc, islab, r0, m0, r1, m1, n_ch):

    def fire(rows, sem, j):
        pltpu.async_copy(tab_hbm.at[islab.at[j, 0]], rows, sem)

    def drain(rows, sem, j):
        pltpu.make_async_copy(tab_hbm.at[islab.at[j, 0]], rows, sem).wait()
        pltpu.sync_copy(rows, acc.at[islab.at[j, 1]], add=True)

    fire(r0, m0, 0)
    fire(r1, m1, 1)

    n_pairs = (n_ch + 1) // 2

    def body(j, carry):
        drain(r0, m0, 2 * j)

        @pl.when(2 * j + 2 < n_ch)
        def _():
            fire(r0, m0, 2 * j + 2)

        @pl.when(2 * j + 1 < n_ch)
        def _():
            drain(r1, m1, 2 * j + 1)

        @pl.when(2 * j + 3 < n_ch)
        def _():
            fire(r1, m1, 2 * j + 3)

        return carry

    lax.fori_loop(0, n_pairs, body, 0)


def _write_out(acc, out_hbm, s, coff):
    r0 = s * _ROW_BLK

    @pl.when(s < _NS - 1)
    def _():
        pltpu.sync_copy(acc.at[pl.ds(r0, _ROW_BLK)],
                        out_hbm.at[pl.ds(coff + r0, _ROW_BLK)])

    @pl.when(s == _NS - 1)
    def _():
        pltpu.sync_copy(acc.at[pl.ds((_NS - 1) * _ROW_BLK, _LAST_BLK)],
                        out_hbm.at[pl.ds(coff + (_NS - 1) * _ROW_BLK,
                                         _LAST_BLK)])


@functools.partial(
    pl.kernel,
    out_type=jax.ShapeDtypeStruct((2 * _N, _D), jnp.float32),
    mesh=_mesh,
    scratch_types=_SCRATCH,
)
def _agg_pair(idx_hbm, tab_hbm, out_hbm,
              islab, r0, r1, acc, m0, m1):
    c = lax.axis_index("c")
    s = lax.axis_index("s")
    coff = pl.multiple_of(c * _N, 8)

    @pl.when(s == 0)
    def _():
        pltpu.sync_copy(tab_hbm.at[pl.ds(coff, _N)], acc)

    plsc.subcore_barrier()

    n_ch = _CH_BASE + jnp.where(s < _CH_REM, 1, 0)
    lo = c * _CH + s * _CH_BASE + jnp.minimum(s, _CH_REM)

    _block_loop(idx_hbm, tab_hbm, acc, islab, r0, m0, r1, m1, lo, n_ch)

    plsc.subcore_barrier()
    _write_out(acc, out_hbm, s, coff)


@functools.partial(
    pl.kernel,
    out_type=jax.ShapeDtypeStruct((2 * _N, _D), jnp.float32),
    mesh=_mesh,
    scratch_types=_SCRATCH,
)
def _agg_split(idx_hbm, tab_hbm, out_hbm,
               islab, r0, r1, acc, m0, m1):
    c = lax.axis_index("c")
    s = lax.axis_index("s")
    coff = pl.multiple_of(c * _N, 8)

    @pl.when(s == 0)
    def _():
        pltpu.sync_copy(tab_hbm, acc)

    plsc.subcore_barrier()

    n_ch = _CH2_BASE + jnp.where(s < _CH2_REM, 1, 0)
    lo = c * _CH2 + s * _CH2_BASE + jnp.minimum(s, _CH2_REM)

    _block_loop(idx_hbm, tab_hbm, acc, islab, r0, m0, r1, m1, lo, n_ch)

    plsc.subcore_barrier()
    _write_out(acc, out_hbm, s, coff)


def _dense1_body(agg_ref, wb_ref, te_ref, wa_ref, ba_ref, base_ref, h_ref):
    xa = agg_ref[0:_N, :]
    qa = agg_ref[_N:2 * _N, :]
    base = jnp.maximum(
        jnp.dot(xa, wb_ref[...], preferred_element_type=jnp.float32),
        0.0) + te_ref[...]
    attr = jnp.maximum(
        jnp.dot(qa, wa_ref[...], preferred_element_type=jnp.float32)
        + ba_ref[...], 0.0)
    base_ref[...] = base
    h_ref[...] = base + attr


def _dense2_body(agg_ref, h_ref, wf_ref, bf_ref, wo_ref, bo_ref, qb_ref,
                 wc_ref, out_ref, comm_ref):
    ha = agg_ref[0:_N, :] + agg_ref[_N:2 * _N, :] - h_ref[...]
    fused = jnp.maximum(
        jnp.dot(ha, wf_ref[...], preferred_element_type=jnp.float32)
        + bf_ref[...], 0.0)
    out_ref[...] = (
        jnp.dot(fused, wo_ref[...], preferred_element_type=jnp.float32)
        + bo_ref[...])
    comm_ref[...] = jnp.dot(qb_ref[...], wc_ref[...],
                            preferred_element_type=jnp.float32)


def kernel(x, edge_index, query_nodes, query_attrs, t,
           W_base, t_emb, W_comm,
           W_attr, b_attr, W_fuse, b_fuse, W_out, b_out):
    src = edge_index[0].astype(jnp.int32)
    dst = edge_index[1].astype(jnp.int32)

    srcc = src.reshape(_CH, _W)
    dstc = dst.reshape(_CH, _W)
    pad = jnp.zeros((_KB, 2, _W), jnp.int32)
    idx_pair = jnp.concatenate([
        jnp.stack([jnp.concatenate([srcc.reshape(1, _CH, _W),
                                    (srcc + _N).reshape(1, _CH, _W)], axis=0),
                   jnp.broadcast_to(dstc, (2, _CH, _W))],
                  axis=2).reshape(2 * _CH, 2, _W),
        pad], axis=0)
    idx_split = jnp.concatenate(
        [jnp.stack([srcc, dstc], axis=1), pad], axis=0)

    agg1 = _agg_pair(idx_pair, jnp.concatenate([x, query_attrs], axis=0))

    base, h = pl.pallas_call(
        _dense1_body,
        out_shape=(
            jax.ShapeDtypeStruct((_N, _HID), jnp.float32),
            jax.ShapeDtypeStruct((_N, _HID), jnp.float32),
        ),
    )(agg1, W_base, t_emb[t].reshape(1, _HID), W_attr,
      b_attr.reshape(1, _HID))

    agg2 = _agg_split(idx_split, h)

    qbase = base[query_nodes]

    node_pred, community_pred = pl.pallas_call(
        _dense2_body,
        out_shape=(
            jax.ShapeDtypeStruct((_N, _D), jnp.float32),
            jax.ShapeDtypeStruct((_Q, _NCOMM), jnp.float32),
        ),
    )(agg2, h, W_fuse, b_fuse.reshape(1, _HID), W_out, b_out.reshape(1, _D),
      qbase, W_comm)

    return (node_pred, community_pred)

# --- scband reference (transcript-rebuilt; emitter-appended) ---
"""Pipeline reference for scband-copilot-network-24988119728774 (READ-ONLY COPY).

The authoritative reference and input builder live on the scoring server;
editing this copy changes nothing except your own understanding.
"""

import jax, jax.numpy as jnp
import numpy as np

N = 10000
E = 320000
IN_DIM = 128
HID = 128
N_COMM = 64
T_MAX = 1000
Q = 512


def _gcn(feats, src, dst, W, b, n):
    # ZeroGCN-style message passing: scatter-add neighbor features, combine with self, linear + relu
    agg = jax.ops.segment_sum(feats[src], dst, num_segments=n)
    return jax.nn.relu((feats + agg) @ W + b)


def setup_inputs(seed: int = 0) -> dict:
    key = jax.random.key(seed)
    ks = jax.random.split(key, 12)
    x = jax.random.normal(ks[0], (N, IN_DIM), dtype=jnp.float32)
    edge_index = jax.random.randint(ks[1], (2, E), 0, N, dtype=jnp.int64)
    query_nodes = jax.random.randint(ks[2], (Q,), 0, N, dtype=jnp.int64)
    query_attrs = jax.random.normal(ks[3], (N, IN_DIM), dtype=jnp.float32)
    t = 100
    # frozen base_model params
    W_base = jax.random.normal(ks[4], (IN_DIM, HID), dtype=jnp.float32) * 0.02
    t_emb = jax.random.normal(ks[5], (T_MAX, HID), dtype=jnp.float32) * 0.02
    W_comm = jax.random.normal(ks[6], (HID, N_COMM), dtype=jnp.float32) * 0.02
    # trainable copilot params
    W_attr = jax.random.normal(ks[7], (IN_DIM, HID), dtype=jnp.float32) * 0.02
    b_attr = jnp.zeros((HID,), dtype=jnp.float32)
    W_fuse = jax.random.normal(ks[8], (HID, HID), dtype=jnp.float32) * 0.02
    b_fuse = jnp.zeros((HID,), dtype=jnp.float32)
    W_out = jax.random.normal(ks[9], (HID, IN_DIM), dtype=jnp.float32) * 0.02
    b_out = jnp.zeros((IN_DIM,), dtype=jnp.float32)
    return {
        "x": x, "edge_index": edge_index, "query_nodes": query_nodes,
        "query_attrs": query_attrs, "t": t,
        "W_base": W_base, "t_emb": t_emb, "W_comm": W_comm,
        "W_attr": W_attr, "b_attr": b_attr,
        "W_fuse": W_fuse, "b_fuse": b_fuse,
        "W_out": W_out, "b_out": b_out,
    }


def reference(x, edge_index, query_nodes, query_attrs, t,
              W_base, t_emb, W_comm,
              W_attr, b_attr, W_fuse, b_fuse, W_out, b_out):
    src = edge_index[0]
    dst = edge_index[1]
    # frozen base model: GCN layer + timestep embedding, community head on query nodes
    base_node_pred = _gcn(x, src, dst, W_base, jnp.zeros((HID,), jnp.float32), N) + t_emb[t]
    base_comm_pred = base_node_pred[query_nodes] @ W_comm
    # copilot branch
    attr_feats = _gcn(query_attrs, src, dst, W_attr, b_attr, N)
    fused_feats = _gcn(base_node_pred + attr_feats, src, dst, W_fuse, b_fuse, N)
    node_pred = fused_feats @ W_out + b_out
    community_pred = base_comm_pred
    return (node_pred, community_pred)

if __name__ == "__main__":
    import jax
    _d = setup_inputs()
    print(jax.jit(kernel)(*tuple(_d.values())))

</pallas_src>

<mosaic_0001>
#map = affine_map<(d0, d1) -> (0, 0, 0)>
#map1 = affine_map<(d0, d1) -> (0, 0)>
module attributes {stable_mosaic.version = 14 : i64} {
  func.func @_agg_split(%arg0: i32, %arg1: i32, %arg2: memref<2564x2x128xi32, #tpu.memory_space<hbm>>, %arg3: memref<10000x128xf32, #tpu.memory_space<hbm>>, %arg4: memref<20000x128xf32, #tpu.memory_space<hbm>>, %arg5: memref<64x2x128xi32, #tpu.memory_space<vmem>>, %arg6: memref<128x128xf32, #tpu.memory_space<vmem>>, %arg7: memref<128x128xf32, #tpu.memory_space<vmem>>, %arg8: memref<10000x128xf32, #tpu.memory_space<vmem_shared>>, %arg9: memref<!tpu.dma_semaphore, #tpu.memory_space<semaphore_mem>>, %arg10: memref<!tpu.dma_semaphore, #tpu.memory_space<semaphore_mem>>) attributes {dimension_semantics = [#tpu.dimension_semantics<core_parallel>, #tpu.dimension_semantics<subcore_parallel>], iteration_bounds = array<i64: 2, 16>, scalar_prefetch = 0 : i64, scratch_operands = 6 : i64, tpu.core_type = #tpu.core_type<sc_vector_subcore>, window_params = [{transform_indices = #map}, {transform_indices = #map1}, {transform_indices = #map1}]} {
    %mul3A = arith.constant 10000 : i32
    %mul3A_0 = arith.muli %arg0, %mul3A : i32
    %multiple_of3A = tpu.assume_multiple %mul3A_0, 8 : i32
    %eq3A = arith.constant 0 : i32
    %eq3A_1 = arith.cmpi eq, %arg1, %eq3A : i32
    %convert_element_type3A = arith.extui %eq3A_1 : i1 to i32
    %cond3A = arith.constant 0 : i32
    %cond3A_2 = arith.cmpi ne, %convert_element_type3A, %cond3A : i32
    scf.if %cond3A_2 {
      "tpu.region"() ({
        %run_scoped3A = tpu.sem_alloc : memref<!tpu.dma_semaphore, #tpu.memory_space<semaphore_mem>>
        tpu.enqueue_dma source(%arg3 : memref<10000x128xf32, #tpu.memory_space<hbm>>) target(%arg8 : memref<10000x128xf32, #tpu.memory_space<vmem_shared>>) target_semaphore(%run_scoped3A : memref<!tpu.dma_semaphore, #tpu.memory_space<semaphore_mem>>)
        tpu.wait_dma2 semaphore(%run_scoped3A : memref<!tpu.dma_semaphore, #tpu.memory_space<semaphore_mem>>) src(%arg3 : memref<10000x128xf32, #tpu.memory_space<hbm>>) dst(%arg8 : memref<10000x128xf32, #tpu.memory_space<vmem_shared>>)
        tpu.yield
      }) : () -> ()
    } else {
    }
    %barrier3A = arith.constant 0 : index
    tpu.barrier barrier_id(%barrier3A)
    %lt3A = arith.constant 2 : i32
    %lt3A_3 = arith.cmpi slt, %arg1, %lt3A : i32
    %jit3A = arith.constant 1 : i32
    %jit3A_4 = arith.constant 0 : i32
    %select_n3A = arith.select %lt3A_3, %jit3A, %jit3A_4 : i32
    %add3A = arith.constant 78 : i32
    %add3A_5 = arith.addi %add3A, %select_n3A : i32
    %mul3A_6 = arith.constant 1250 : i32
    %mul3A_7 = arith.muli %arg0, %mul3A_6 : i32
    %mul3A_8 = arith.constant 78 : i32
    %mul3A_9 = arith.muli %arg1, %mul3A_8 : i32
    %add3A_10 = arith.addi %mul3A_7, %mul3A_9 : i32
    %min3A = arith.constant 2 : i32
    %min3A_11 = arith.minsi %arg1, %min3A : i32
    %add3A_12 = arith.addi %add3A_10, %min3A_11 : i32
    %add3A_13 = arith.constant 64 : i32
    %add3A_14 = arith.addi %add3A_5, %add3A_13 : i32
    %sub3A = arith.constant 1 : i32
    %sub3A_15 = arith.subi %add3A_14, %sub3A : i32
    %jit3A_16 = arith.constant 64 : i32
    %div3A = arith.divsi %sub3A_15, %jit3A_16 : i32
    %sign3A = arith.constant 0 : i32
    %sign3A_17 = arith.cmpi sgt, %sub3A_15, %sign3A : i32
    %sign3A_18 = arith.extui %sign3A_17 : i1 to i32
    %sign3A_19 = arith.constant 0 : i32
    %sign3A_20 = arith.cmpi slt, %sub3A_15, %sign3A_19 : i32
    %sign3A_21 = arith.extui %sign3A_20 : i1 to i32
    %sign3A_22 = arith.subi %sign3A_18, %sign3A_21 : i32
    %sign3A_23 = arith.constant 0 : i32
    %sign3A_24 = arith.cmpi sgt, %jit3A_16, %sign3A_23 : i32
    %sign3A_25 = arith.extui %sign3A_24 : i1 to i32
    %sign3A_26 = arith.constant 0 : i32
    %sign3A_27 = arith.cmpi slt, %jit3A_16, %sign3A_26 : i32
    %sign3A_28 = arith.extui %sign3A_27 : i1 to i32
    %sign3A_29 = arith.subi %sign3A_25, %sign3A_28 : i32
    %ne3A = arith.cmpi ne, %sign3A_22, %sign3A_29 : i32
    %rem3A = arith.remsi %sub3A_15, %jit3A_16 : i32
    %ne3A_30 = arith.constant 0 : i32
    %ne3A_31 = arith.cmpi ne, %rem3A, %ne3A_30 : i32
    %and3A = arith.andi %ne3A, %ne3A_31 : i1
    %sub3A_32 = arith.constant 1 : i32
    %sub3A_33 = arith.subi %div3A, %sub3A_32 : i32
    %select_n3A_34 = arith.select %and3A, %sub3A_33, %div3A : i32
    %while3A = arith.constant 0 : i32
    %while3A_35 = arith.constant 0 : i32
    %while3A_36 = arith.subi %select_n3A_34, %while3A_35 : i32
    %while3A_37 = arith.addi %while3A_35, %while3A_36 : i32
    %while3A_38 = arith.constant 1 : i32
    %while3A_39 = arith.divsi %while3A_36, %while3A_38 : i32
    %while3A_40 = arith.muli %while3A_39, %while3A_38 : i32
    %while3A_41 = arith.addi %while3A_35, %while3A_40 : i32
    %while3A_42 = arith.constant 1 : i32
    scf.for %while3A_57 = %while3A_35 to %while3A_41 step %while3A_42  : i32 {
      %mul3A_58 = arith.constant 64 : i32
      %mul3A_59 = arith.muli %while3A_57, %mul3A_58 : i32
      %add3A_60 = arith.addi %add3A_12, %mul3A_59 : i32
      "tpu.region"() ({
        %run_scoped3A = tpu.sem_alloc : memref<!tpu.dma_semaphore, #tpu.memory_space<semaphore_mem>>
        %dma_start3A_117 = arith.constant 0 : i32
        %dma_start3A_118 = arith.constant 0 : i32
        %dma_start3A_119 = tpu.memref_slice %arg2[%add3A_60, %dma_start3A_117, %dma_start3A_118] : memref<2564x2x128xi32, #tpu.memory_space<hbm>> -> memref<64x2x128xi32, #tpu.memory_space<hbm>>
        %dma_start3A_120 = arith.constant 0 : i32
        %dma_start3A_121 = arith.constant 0 : i32
        %dma_start3A_122 = tpu.memref_slice %arg2[%add3A_60, %dma_start3A_120, %dma_start3A_121] : memref<2564x2x128xi32, #tpu.memory_space<hbm>> -> memref<64x2x128xi32, #tpu.memory_space<hbm>>
        tpu.enqueue_dma source(%dma_start3A_122 : memref<64x2x128xi32, #tpu.memory_space<hbm>>) target(%arg5 : memref<64x2x128xi32, #tpu.memory_space<vmem>>) target_semaphore(%run_scoped3A : memref<!tpu.dma_semaphore, #tpu.memory_space<semaphore_mem>>)
        %dma_wait3A = arith.constant 0 : i32
        %dma_wait3A_123 = arith.constant 0 : i32
        %dma_wait3A_124 = tpu.memref_slice %arg2[%add3A_60, %dma_wait3A, %dma_wait3A_123] : memref<2564x2x128xi32, #tpu.memory_space<hbm>> -> memref<64x2x128xi32, #tpu.memory_space<hbm>>
        %dma_wait3A_125 = arith.constant 0 : i32
        %dma_wait3A_126 = arith.constant 0 : i32
        %dma_wait3A_127 = tpu.memref_slice %arg2[%add3A_60, %dma_wait3A_125, %dma_wait3A_126] : memref<2564x2x128xi32, #tpu.memory_space<hbm>> -> memref<64x2x128xi32, #tpu.memory_space<hbm>>
        tpu.wait_dma2 semaphore(%run_scoped3A : memref<!tpu.dma_semaphore, #tpu.memory_space<semaphore_mem>>) src(%dma_wait3A_127 : memref<64x2x128xi32, #tpu.memory_space<hbm>>) dst(%arg5 : memref<64x2x128xi32, #tpu.memory_space<vmem>>)
        tpu.yield
      }) : () -> ()
      %mul3A_61 = arith.constant 64 : i32
      %mul3A_62 = arith.muli %while3A_57, %mul3A_61 : i32
      %sub3A_63 = arith.subi %add3A_5, %mul3A_62 : i32
      %min3A_64 = arith.constant 64 : i32
      %min3A_65 = arith.minsi %sub3A_63, %min3A_64 : i32
      %dma_start3A = arith.constant 0 : i32
      %dma_start3A_66 = arith.constant 0 : i32
      %dma_start3A_67 = arith.constant 0 : i32
      %dma_start3A_68 = tpu.memref_slice %arg5[%dma_start3A, %dma_start3A_66, %dma_start3A_67] : memref<64x2x128xi32, #tpu.memory_space<vmem>> -> memref<1x1x128xi32, #tpu.memory_space<vmem>>
      %dma_start3A_69 = tpu.memref_squeeze %dma_start3A_68 : memref<1x1x128xi32, #tpu.memory_space<vmem>> -> memref<128xi32, #tpu.memory_space<vmem>>
      %dma_start3A_70 = arith.constant 0 : i32
      %dma_start3A_71 = arith.constant 0 : i32
      %dma_start3A_72 = tpu.memref_slice %arg3[%dma_start3A_70, %dma_start3A_71] : memref<10000x128xf32, #tpu.memory_space<hbm>> -> memref<10000x128xf32, #tpu.memory_space<hbm>>
      tpu.enqueue_indirect_dma source(%dma_start3A_72 : memref<10000x128xf32, #tpu.memory_space<hbm>>) target(%arg6 : memref<128x128xf32, #tpu.memory_space<vmem>>) offsets(%dma_start3A_69 : memref<128xi32, #tpu.memory_space<vmem>>) semaphore(%arg9 : memref<!tpu.dma_semaphore, #tpu.memory_space<semaphore_mem>>)
      %dma_start3A_73 = arith.constant 1 : i32
      %dma_start3A_74 = arith.constant 0 : i32
      %dma_start3A_75 = arith.constant 0 : i32
      %dma_start3A_76 = tpu.memref_slice %arg5[%dma_start3A_73, %dma_start3A_74, %dma_start3A_75] : memref<64x2x128xi32, #tpu.memory_space<vmem>> -> memref<1x1x128xi32, #tpu.memory_space<vmem>>
      %dma_start3A_77 = tpu.memref_squeeze %dma_start3A_76 : memref<1x1x128xi32, #tpu.memory_space<vmem>> -> memref<128xi32, #tpu.memory_space<vmem>>
      %dma_start3A_78 = arith.constant 0 : i32
      %dma_start3A_79 = arith.constant 0 : i32
      %dma_start3A_80 = tpu.memref_slice %arg3[%dma_start3A_78, %dma_start3A_79] : memref<10000x128xf32, #tpu.memory_space<hbm>> -> memref<10000x128xf32, #tpu.memory_space<hbm>>
      tpu.enqueue_indirect_dma source(%dma_start3A_80 : memref<10000x128xf32, #tpu.memory_space<hbm>>) target(%arg7 : memref<128x128xf32, #tpu.memory_space<vmem>>) offsets(%dma_start3A_77 : memref<128xi32, #tpu.memory_space<vmem>>) semaphore(%arg10 : memref<!tpu.dma_semaphore, #tpu.memory_space<semaphore_mem>>)
      %add3A_81 = arith.constant 1 : i32
      %add3A_82 = arith.addi %min3A_65, %add3A_81 : i32
      %jit3A_83 = arith.constant 2 : i32
      %div3A_84 = arith.divsi %add3A_82, %jit3A_83 : i32
      %sign3A_85 = arith.constant 0 : i32
      %sign3A_86 = arith.cmpi sgt, %add3A_82, %sign3A_85 : i32
      %sign3A_87 = arith.extui %sign3A_86 : i1 to i32
      %sign3A_88 = arith.constant 0 : i32
      %sign3A_89 = arith.cmpi slt, %add3A_82, %sign3A_88 : i32
      %sign3A_90 = arith.extui %sign3A_89 : i1 to i32
      %sign3A_91 = arith.subi %sign3A_87, %sign3A_90 : i32
      %sign3A_92 = arith.constant 0 : i32
      %sign3A_93 = arith.cmpi sgt, %jit3A_83, %sign3A_92 : i32
      %sign3A_94 = arith.extui %sign3A_93 : i1 to i32
      %sign3A_95 = arith.constant 0 : i32
      %sign3A_96 = arith.cmpi slt, %jit3A_83, %sign3A_95 : i32
      %sign3A_97 = arith.extui %sign3A_96 : i1 to i32
      %sign3A_98 = arith.subi %sign3A_94, %sign3A_97 : i32
      %ne3A_99 = arith.cmpi ne, %sign3A_91, %sign3A_98 : i32
      %rem3A_100 = arith.remsi %add3A_82, %jit3A_83 : i32
      %ne3A_101 = arith.constant 0 : i32
      %ne3A_102 = arith.cmpi ne, %rem3A_100, %ne3A_101 : i32
      %and3A_103 = arith.andi %ne3A_99, %ne3A_102 : i1
      %sub3A_104 = arith.constant 1 : i32
      %sub3A_105 = arith.subi %div3A_84, %sub3A_104 : i32
      %select_n3A_106 = arith.select %and3A_103, %sub3A_105, %div3A_84 : i32
      %while3A_107 = arith.constant 0 : i32
      %while3A_108 = arith.constant 0 : i32
      %while3A_109 = arith.subi %select_n3A_106, %while3A_108 : i32
      %while3A_110 = arith.addi %while3A_108, %while3A_109 : i32
      %while3A_111 = arith.constant 1 : i32
      %while3A_112 = arith.divsi %while3A_109, %while3A_111 : i32
      %while3A_113 = arith.muli %while3A_112, %while3A_111 : i32
      %while3A_114 = arith.addi %while3A_108, %while3A_113 : i32
      %while3A_115 = arith.constant 1 : i32
      scf.for %while3A_117 = %while3A_108 to %while3A_114 step %while3A_115  : i32 {
        %mul3A_118 = arith.constant 2 : i32
        %mul3A_119 = arith.muli %mul3A_118, %while3A_117 : i32
        %dma_wait3A = arith.constant 0 : i32
        %dma_wait3A_120 = arith.constant 0 : i32
        %dma_wait3A_121 = tpu.memref_slice %arg5[%mul3A_119, %dma_wait3A, %dma_wait3A_120] : memref<64x2x128xi32, #tpu.memory_space<vmem>> -> memref<1x1x128xi32, #tpu.memory_space<vmem>>
        %dma_wait3A_122 = tpu.memref_squeeze %dma_wait3A_121 : memref<1x1x128xi32, #tpu.memory_space<vmem>> -> memref<128xi32, #tpu.memory_space<vmem>>
        %dma_wait3A_123 = arith.constant 0 : i32
        %dma_wait3A_124 = arith.constant 0 : i32
        %dma_wait3A_125 = tpu.memref_slice %arg3[%dma_wait3A_123, %dma_wait3A_124] : memref<10000x128xf32, #tpu.memory_space<hbm>> -> memref<10000x128xf32, #tpu.memory_space<hbm>>
        tpu.wait_indirect_dma semaphore(%arg9 : memref<!tpu.dma_semaphore, #tpu.memory_space<semaphore_mem>>) src(%dma_wait3A_125 : memref<10000x128xf32, #tpu.memory_space<hbm>>) dst(%arg6 : memref<128x128xf32, #tpu.memory_space<vmem>>)
        %run_scoped3A = arith.constant 1 : i32
        "tpu.region"() ({
          %run_scoped3A_150 = tpu.sem_alloc : memref<!tpu.dma_semaphore, #tpu.memory_space<semaphore_mem>>
          %dma_start3A_151 = arith.constant 0 : i32
          %dma_start3A_152 = tpu.memref_slice %arg5[%mul3A_119, %run_scoped3A, %dma_start3A_151] : memref<64x2x128xi32, #tpu.memory_space<vmem>> -> memref<1x1x128xi32, #tpu.memory_space<vmem>>
          %dma_start3A_153 = tpu.memref_squeeze %dma_start3A_152 : memref<1x1x128xi32, #tpu.memory_space<vmem>> -> memref<128xi32, #tpu.memory_space<vmem>>
          %dma_start3A_154 = arith.constant 0 : i32
          %dma_start3A_155 = arith.constant 0 : i32
          %dma_start3A_156 = tpu.memref_slice %arg8[%dma_start3A_154, %dma_start3A_155] : memref<10000x128xf32, #tpu.memory_space<vmem_shared>> -> memref<10000x128xf32, #tpu.memory_space<vmem_shared>>
          tpu.enqueue_indirect_dma source(%arg6 : memref<128x128xf32, #tpu.memory_space<vmem>>) target(%dma_start3A_156 : memref<10000x128xf32, #tpu.memory_space<vmem_shared>>) offsets(%dma_start3A_153 : memref<128xi32, #tpu.memory_space<vmem>>) semaphore(%run_scoped3A_150 : memref<!tpu.dma_semaphore, #tpu.memory_space<semaphore_mem>>) {add = true}
          %dma_wait3A_157 = arith.constant 0 : i32
          %dma_wait3A_158 = tpu.memref_slice %arg5[%mul3A_119, %run_scoped3A, %dma_wait3A_157] : memref<64x2x128xi32, #tpu.memory_space<vmem>> -> memref<1x1x128xi32, #tpu.memory_space<vmem>>
          %dma_wait3A_159 = tpu.memref_squeeze %dma_wait3A_158 : memref<1x1x128xi32, #tpu.memory_space<vmem>> -> memref<128xi32, #tpu.memory_space<vmem>>
          %dma_wait3A_160 = arith.constant 0 : i32
          %dma_wait3A_161 = arith.constant 0 : i32
          %dma_wait3A_162 = tpu.memref_slice %arg8[%dma_wait3A_160, %dma_wait3A_161] : memref<10000x128xf32, #tpu.memory_space<vmem_shared>> -> memref<10000x128xf32, #tpu.memory_space<vmem_shared>>
          tpu.wait_indirect_dma semaphore(%run_scoped3A_150 : memref<!tpu.dma_semaphore, #tpu.memory_space<semaphore_mem>>) src(%arg6 : memref<128x128xf32, #tpu.memory_space<vmem>>) dst(%dma_wait3A_162 : memref<10000x128xf32, #tpu.memory_space<vmem_shared>>)
          tpu.yield
        }) : () -> ()
        %mul3A_126 = arith.constant 2 : i32
        %mul3A_127 = arith.muli %mul3A_126, %while3A_117 : i32
        %add3A_128 = arith.constant 2 : i32
        %add3A_129 = arith.addi %mul3A_127, %add3A_128 : i32
        %lt3A_130 = arith.cmpi slt, %add3A_129, %min3A_65 : i32
        %convert_element_type3A_131 = arith.extui %lt3A_130 : i1 to i32
        %cond3A_132 = arith.constant 0 : i32
        %cond3A_133 = arith.cmpi ne, %convert_element_type3A_131, %cond3A_132 : i32
        scf.if %cond3A_133 {
          %mul3A_150 = arith.constant 2 : i32
          %mul3A_151 = arith.muli %mul3A_150, %while3A_117 : i32
          %add3A_152 = arith.constant 2 : i32
          %add3A_153 = arith.addi %mul3A_151, %add3A_152 : i32
          %dma_start3A_154 = arith.constant 0 : i32
          %dma_start3A_155 = arith.constant 0 : i32
          %dma_start3A_156 = tpu.memref_slice %arg5[%add3A_153, %dma_start3A_154, %dma_start3A_155] : memref<64x2x128xi32, #tpu.memory_space<vmem>> -> memref<1x1x128xi32, #tpu.memory_space<vmem>>
          %dma_start3A_157 = tpu.memref_squeeze %dma_start3A_156 : memref<1x1x128xi32, #tpu.memory_space<vmem>> -> memref<128xi32, #tpu.memory_space<vmem>>
          %dma_start3A_158 = arith.constant 0 : i32
          %dma_start3A_159 = arith.constant 0 : i32
          %dma_start3A_160 = tpu.memref_slice %arg3[%dma_start3A_158, %dma_start3A_159] : memref<10000x128xf32, #tpu.memory_space<hbm>> -> memref<10000x128xf32, #tpu.memory_space<hbm>>
          tpu.enqueue_indirect_dma source(%dma_start3A_160 : memref<10000x128xf32, #tpu.memory_space<hbm>>) target(%arg6 : memref<128x128xf32, #tpu.memory_space<vmem>>) offsets(%dma_start3A_157 : memref<128xi32, #tpu.memory_space<vmem>>) semaphore(%arg9 : memref<!tpu.dma_semaphore, #tpu.memory_space<semaphore_mem>>)
        } else {
        }
        %mul3A_134 = arith.constant 2 : i32
        %mul3A_135 = arith.muli %mul3A_134, %while3A_117 : i32
        %add3A_136 = arith.constant 1 : i32
        %add3A_137 = arith.addi %mul3A_135, %add3A_136 : i32
        %lt3A_138 = arith.cmpi slt, %add3A_137, %min3A_65 : i32
        %convert_element_type3A_139 = arith.extui %lt3A_138 : i1 to i32
        %cond3A_140 = arith.constant 0 : i32
        %cond3A_141 = arith.cmpi ne, %convert_element_type3A_139, %cond3A_140 : i32
        scf.if %cond3A_141 {
          %mul3A_150 = arith.constant 2 : i32
          %mul3A_151 = arith.muli %mul3A_150, %while3A_117 : i32
          %add3A_152 = arith.constant 1 : i32
          %add3A_153 = arith.addi %mul3A_151, %add3A_152 : i32
          %dma_wait3A_154 = arith.constant 0 : i32
          %dma_wait3A_155 = arith.constant 0 : i32
          %dma_wait3A_156 = tpu.memref_slice %arg5[%add3A_153, %dma_wait3A_154, %dma_wait3A_155] : memref<64x2x128xi32, #tpu.memory_space<vmem>> -> memref<1x1x128xi32, #tpu.memory_space<vmem>>
          %dma_wait3A_157 = tpu.memref_squeeze %dma_wait3A_156 : memref<1x1x128xi32, #tpu.memory_space<vmem>> -> memref<128xi32, #tpu.memory_space<vmem>>
          %dma_wait3A_158 = arith.constant 0 : i32
          %dma_wait3A_159 = arith.constant 0 : i32
          %dma_wait3A_160 = tpu.memref_slice %arg3[%dma_wait3A_158, %dma_wait3A_159] : memref<10000x128xf32, #tpu.memory_space<hbm>> -> memref<10000x128xf32, #tpu.memory_space<hbm>>
          tpu.wait_indirect_dma semaphore(%arg10 : memref<!tpu.dma_semaphore, #tpu.memory_space<semaphore_mem>>) src(%dma_wait3A_160 : memref<10000x128xf32, #tpu.memory_space<hbm>>) dst(%arg7 : memref<128x128xf32, #tpu.memory_space<vmem>>)
          %run_scoped3A_161 = arith.constant 1 : i32
          "tpu.region"() ({
            %run_scoped3A_162 = tpu.sem_alloc : memref<!tpu.dma_semaphore, #tpu.memory_space<semaphore_mem>>
            %dma_start3A_163 = arith.constant 0 : i32
            %dma_start3A_164 = tpu.memref_slice %arg5[%add3A_153, %run_scoped3A_161, %dma_start3A_163] : memref<64x2x128xi32, #tpu.memory_space<vmem>> -> memref<1x1x128xi32, #tpu.memory_space<vmem>>
            %dma_start3A_165 = tpu.memref_squeeze %dma_start3A_164 : memref<1x1x128xi32, #tpu.memory_space<vmem>> -> memref<128xi32, #tpu.memory_space<vmem>>
            %dma_start3A_166 = arith.constant 0 : i32
            %dma_start3A_167 = arith.constant 0 : i32
            %dma_start3A_168 = tpu.memref_slice %arg8[%dma_start3A_166, %dma_start3A_167] : memref<10000x128xf32, #tpu.memory_space<vmem_shared>> -> memref<10000x128xf32, #tpu.memory_space<vmem_shared>>
            tpu.enqueue_indirect_dma source(%arg7 : memref<128x128xf32, #tpu.memory_space<vmem>>) target(%dma_start3A_168 : memref<10000x128xf32, #tpu.memory_space<vmem_shared>>) offsets(%dma_start3A_165 : memref<128xi32, #tpu.memory_space<vmem>>) semaphore(%run_scoped3A_162 : memref<!tpu.dma_semaphore, #tpu.memory_space<semaphore_mem>>) {add = true}
            %dma_wait3A_169 = arith.constant 0 : i32
            %dma_wait3A_170 = tpu.memref_slice %arg5[%add3A_153, %run_scoped3A_161, %dma_wait3A_169] : memref<64x2x128xi32, #tpu.memory_space<vmem>> -> memref<1x1x128xi32, #tpu.memory_space<vmem>>
            %dma_wait3A_171 = tpu.memref_squeeze %dma_wait3A_170 : memref<1x1x128xi32, #tpu.memory_space<vmem>> -> memref<128xi32, #tpu.memory_space<vmem>>
            %dma_wait3A_172 = arith.constant 0 : i32
            %dma_wait3A_173 = arith.constant 0 : i32
            %dma_wait3A_174 = tpu.memref_slice %arg8[%dma_wait3A_172, %dma_wait3A_173] : memref<10000x128xf32, #tpu.memory_space<vmem_shared>> -> memref<10000x128xf32, #tpu.memory_space<vmem_shared>>
            tpu.wait_indirect_dma semaphore(%run_scoped3A_162 : memref<!tpu.dma_semaphore, #tpu.memory_space<semaphore_mem>>) src(%arg7 : memref<128x128xf32, #tpu.memory_space<vmem>>) dst(%dma_wait3A_174 : memref<10000x128xf32, #tpu.memory_space<vmem_shared>>)
            tpu.yield
          }) : () -> ()
        } else {
        }
        %mul3A_142 = arith.constant 2 : i32
        %mul3A_143 = arith.muli %mul3A_142, %while3A_117 : i32
        %add3A_144 = arith.constant 3 : i32
        %add3A_145 = arith.addi %mul3A_143, %add3A_144 : i32
        %lt3A_146 = arith.cmpi slt, %add3A_145, %min3A_65 : i32
        %convert_element_type3A_147 = arith.extui %lt3A_146 : i1 to i32
        %cond3A_148 = arith.constant 0 : i32
        %cond3A_149 = arith.cmpi ne, %convert_element_type3A_147, %cond3A_148 : i32
        scf.if %cond3A_149 {
          %mul3A_150 = arith.constant 2 : i32
          %mul3A_151 = arith.muli %mul3A_150, %while3A_117 : i32
          %add3A_152 = arith.constant 3 : i32
          %add3A_153 = arith.addi %mul3A_151, %add3A_152 : i32
          %dma_start3A_154 = arith.constant 0 : i32
          %dma_start3A_155 = arith.constant 0 : i32
          %dma_start3A_156 = tpu.memref_slice %arg5[%add3A_153, %dma_start3A_154, %dma_start3A_155] : memref<64x2x128xi32, #tpu.memory_space<vmem>> -> memref<1x1x128xi32, #tpu.memory_space<vmem>>
          %dma_start3A_157 = tpu.memref_squeeze %dma_start3A_156 : memref<1x1x128xi32, #tpu.memory_space<vmem>> -> memref<128xi32, #tpu.memory_space<vmem>>
          %dma_start3A_158 = arith.constant 0 : i32
          %dma_start3A_159 = arith.constant 0 : i32
          %dma_start3A_160 = tpu.memref_slice %arg3[%dma_start3A_158, %dma_start3A_159] : memref<10000x128xf32, #tpu.memory_space<hbm>> -> memref<10000x128xf32, #tpu.memory_space<hbm>>
          tpu.enqueue_indirect_dma source(%dma_start3A_160 : memref<10000x128xf32, #tpu.memory_space<hbm>>) target(%arg7 : memref<128x128xf32, #tpu.memory_space<vmem>>) offsets(%dma_start3A_157 : memref<128xi32, #tpu.memory_space<vmem>>) semaphore(%arg10 : memref<!tpu.dma_semaphore, #tpu.memory_space<semaphore_mem>>)
        } else {
        }
      }
      %while3A_116 = arith.constant 1 : i32
      scf.for %while3A_117 = %while3A_114 to %while3A_110 step %while3A_116  : i32 {
        %mul3A_118 = arith.constant 2 : i32
        %mul3A_119 = arith.muli %mul3A_118, %while3A_117 : i32
        %dma_wait3A = arith.constant 0 : i32
        %dma_wait3A_120 = arith.constant 0 : i32
        %dma_wait3A_121 = tpu.memref_slice %arg5[%mul3A_119, %dma_wait3A, %dma_wait3A_120] : memref<64x2x128xi32, #tpu.memory_space<vmem>> -> memref<1x1x128xi32, #tpu.memory_space<vmem>>
        %dma_wait3A_122 = tpu.memref_squeeze %dma_wait3A_121 : memref<1x1x128xi32, #tpu.memory_space<vmem>> -> memref<128xi32, #tpu.memory_space<vmem>>
        %dma_wait3A_123 = arith.constant 0 : i32
        %dma_wait3A_124 = arith.constant 0 : i32
        %dma_wait3A_125 = tpu.memref_slice %arg3[%dma_wait3A_123, %dma_wait3A_124] : memref<10000x128xf32, #tpu.memory_space<hbm>> -> memref<10000x128xf32, #tpu.memory_space<hbm>>
        tpu.wait_indirect_dma semaphore(%arg9 : memref<!tpu.dma_semaphore, #tpu.memory_space<semaphore_mem>>) src(%dma_wait3A_125 : memref<10000x128xf32, #tpu.memory_space<hbm>>) dst(%arg6 : memref<128x128xf32, #tpu.memory_space<vmem>>)
        %run_scoped3A = arith.constant 1 : i32
        "tpu.region"() ({
          %run_scoped3A_150 = tpu.sem_alloc : memref<!tpu.dma_semaphore, #tpu.memory_space<semaphore_mem>>
          %dma_start3A_151 = arith.constant 0 : i32
          %dma_start3A_152 = tpu.memref_slice %arg5[%mul3A_119, %run_scoped3A, %dma_start3A_151] : memref<64x2x128xi32, #tpu.memory_space<vmem>> -> memref<1x1x128xi32, #tpu.memory_space<vmem>>
          %dma_start3A_153 = tpu.memref_squeeze %dma_start3A_152 : memref<1x1x128xi32, #tpu.memory_space<vmem>> -> memref<128xi32, #tpu.memory_space<vmem>>
          %dma_start3A_154 = arith.constant 0 : i32
          %dma_start3A_155 = arith.constant 0 : i32
          %dma_start3A_156 = tpu.memref_slice %arg8[%dma_start3A_154, %dma_start3A_155] : memref<10000x128xf32, #tpu.memory_space<vmem_shared>> -> memref<10000x128xf32, #tpu.memory_space<vmem_shared>>
          tpu.enqueue_indirect_dma source(%arg6 : memref<128x128xf32, #tpu.memory_space<vmem>>) target(%dma_start3A_156 : memref<10000x128xf32, #tpu.memory_space<vmem_shared>>) offsets(%dma_start3A_153 : memref<128xi32, #tpu.memory_space<vmem>>) semaphore(%run_scoped3A_150 : memref<!tpu.dma_semaphore, #tpu.memory_space<semaphore_mem>>) {add = true}
          %dma_wait3A_157 = arith.constant 0 : i32
          %dma_wait3A_158 = tpu.memref_slice %arg5[%mul3A_119, %run_scoped3A, %dma_wait3A_157] : memref<64x2x128xi32, #tpu.memory_space<vmem>> -> memref<1x1x128xi32, #tpu.memory_space<vmem>>
          %dma_wait3A_159 = tpu.memref_squeeze %dma_wait3A_158 : memref<1x1x128xi32, #tpu.memory_space<vmem>> -> memref<128xi32, #tpu.memory_space<vmem>>
          %dma_wait3A_160 = arith.constant 0 : i32
          %dma_wait3A_161 = arith.constant 0 : i32
          %dma_wait3A_162 = tpu.memref_slice %arg8[%dma_wait3A_160, %dma_wait3A_161] : memref<10000x128xf32, #tpu.memory_space<vmem_shared>> -> memref<10000x128xf32, #tpu.memory_space<vmem_shared>>
          tpu.wait_indirect_dma semaphore(%run_scoped3A_150 : memref<!tpu.dma_semaphore, #tpu.memory_space<semaphore_mem>>) src(%arg6 : memref<128x128xf32, #tpu.memory_space<vmem>>) dst(%dma_wait3A_162 : memref<10000x128xf32, #tpu.memory_space<vmem_shared>>)
          tpu.yield
        }) : () -> ()
        %mul3A_126 = arith.constant 2 : i32
        %mul3A_127 = arith.muli %mul3A_126, %while3A_117 : i32
        %add3A_128 = arith.constant 2 : i32
        %add3A_129 = arith.addi %mul3A_127, %add3A_128 : i32
        %lt3A_130 = arith.cmpi slt, %add3A_129, %min3A_65 : i32
        %convert_element_type3A_131 = arith.extui %lt3A_130 : i1 to i32
        %cond3A_132 = arith.constant 0 : i32
        %cond3A_133 = arith.cmpi ne, %convert_element_type3A_131, %cond3A_132 : i32
        scf.if %cond3A_133 {
          %mul3A_150 = arith.constant 2 : i32
          %mul3A_151 = arith.muli %mul3A_150, %while3A_117 : i32
          %add3A_152 = arith.constant 2 : i32
          %add3A_153 = arith.addi %mul3A_151, %add3A_152 : i32
          %dma_start3A_154 = arith.constant 0 : i32
          %dma_start3A_155 = arith.constant 0 : i32
          %dma_start3A_156 = tpu.memref_slice %arg5[%add3A_153, %dma_start3A_154, %dma_start3A_155] : memref<64x2x128xi32, #tpu.memory_space<vmem>> -> memref<1x1x128xi32, #tpu.memory_space<vmem>>
          %dma_start3A_157 = tpu.memref_squeeze %dma_start3A_156 : memref<1x1x128xi32, #tpu.memory_space<vmem>> -> memref<128xi32, #tpu.memory_space<vmem>>
          %dma_start3A_158 = arith.constant 0 : i32
          %dma_start3A_159 = arith.constant 0 : i32
          %dma_start3A_160 = tpu.memref_slice %arg3[%dma_start3A_158, %dma_start3A_159] : memref<10000x128xf32, #tpu.memory_space<hbm>> -> memref<10000x128xf32, #tpu.memory_space<hbm>>
          tpu.enqueue_indirect_dma source(%dma_start3A_160 : memref<10000x128xf32, #tpu.memory_space<hbm>>) target(%arg6 : memref<128x128xf32, #tpu.memory_space<vmem>>) offsets(%dma_start3A_157 : memref<128xi32, #tpu.memory_space<vmem>>) semaphore(%arg9 : memref<!tpu.dma_semaphore, #tpu.memory_space<semaphore_mem>>)
        } else {
        }
        %mul3A_134 = arith.constant 2 : i32
        %mul3A_135 = arith.muli %mul3A_134, %while3A_117 : i32
        %add3A_136 = arith.constant 1 : i32
        %add3A_137 = arith.addi %mul3A_135, %add3A_136 : i32
        %lt3A_138 = arith.cmpi slt, %add3A_137, %min3A_65 : i32
        %convert_element_type3A_139 = arith.extui %lt3A_138 : i1 to i32
        %cond3A_140 = arith.constant 0 : i32
        %cond3A_141 = arith.cmpi ne, %convert_element_type3A_139, %cond3A_140 : i32
        scf.if %cond3A_141 {
          %mul3A_150 = arith.constant 2 : i32
          %mul3A_151 = arith.muli %mul3A_150, %while3A_117 : i32
          %add3A_152 = arith.constant 1 : i32
          %add3A_153 = arith.addi %mul3A_151, %add3A_152 : i32
          %dma_wait3A_154 = arith.constant 0 : i32
          %dma_wait3A_155 = arith.constant 0 : i32
          %dma_wait3A_156 = tpu.memref_slice %arg5[%add3A_153, %dma_wait3A_154, %dma_wait3A_155] : memref<64x2x128xi32, #tpu.memory_space<vmem>> -> memref<1x1x128xi32, #tpu.memory_space<vmem>>
          %dma_wait3A_157 = tpu.memref_squeeze %dma_wait3A_156 : memref<1x1x128xi32, #tpu.memory_space<vmem>> -> memref<128xi32, #tpu.memory_space<vmem>>
          %dma_wait3A_158 = arith.constant 0 : i32
          %dma_wait3A_159 = arith.constant 0 : i32
          %dma_wait3A_160 = tpu.memref_slice %arg3[%dma_wait3A_158, %dma_wait3A_159] : memref<10000x128xf32, #tpu.memory_space<hbm>> -> memref<10000x128xf32, #tpu.memory_space<hbm>>
          tpu.wait_indirect_dma semaphore(%arg10 : memref<!tpu.dma_semaphore, #tpu.memory_space<semaphore_mem>>) src(%dma_wait3A_160 : memref<10000x128xf32, #tpu.memory_space<hbm>>) dst(%arg7 : memref<128x128xf32, #tpu.memory_space<vmem>>)
          %run_scoped3A_161 = arith.constant 1 : i32
          "tpu.region"() ({
            %run_scoped3A_162 = tpu.sem_alloc : memref<!tpu.dma_semaphore, #tpu.memory_space<semaphore_mem>>
            %dma_start3A_163 = arith.constant 0 : i32
            %dma_start3A_164 = tpu.memref_slice %arg5[%add3A_153, %run_scoped3A_161, %dma_start3A_163] : memref<64x2x128xi32, #tpu.memory_space<vmem>> -> memref<1x1x128xi32, #tpu.memory_space<vmem>>
            %dma_start3A_165 = tpu.memref_squeeze %dma_start3A_164 : memref<1x1x128xi32, #tpu.memory_space<vmem>> -> memref<128xi32, #tpu.memory_space<vmem>>
            %dma_start3A_166 = arith.constant 0 : i32
            %dma_start3A_167 = arith.constant 0 : i32
            %dma_start3A_168 = tpu.memref_slice %arg8[%dma_start3A_166, %dma_start3A_167] : memref<10000x128xf32, #tpu.memory_space<vmem_shared>> -> memref<10000x128xf32, #tpu.memory_space<vmem_shared>>
            tpu.enqueue_indirect_dma source(%arg7 : memref<128x128xf32, #tpu.memory_space<vmem>>) target(%dma_start3A_168 : memref<10000x128xf32, #tpu.memory_space<vmem_shared>>) offsets(%dma_start3A_165 : memref<128xi32, #tpu.memory_space<vmem>>) semaphore(%run_scoped3A_162 : memref<!tpu.dma_semaphore, #tpu.memory_space<semaphore_mem>>) {add = true}
            %dma_wait3A_169 = arith.constant 0 : i32
            %dma_wait3A_170 = tpu.memref_slice %arg5[%add3A_153, %run_scoped3A_161, %dma_wait3A_169] : memref<64x2x128xi32, #tpu.memory_space<vmem>> -> memref<1x1x128xi32, #tpu.memory_space<vmem>>
            %dma_wait3A_171 = tpu.memref_squeeze %dma_wait3A_170 : memref<1x1x128xi32, #tpu.memory_space<vmem>> -> memref<128xi32, #tpu.memory_space<vmem>>
            %dma_wait3A_172 = arith.constant 0 : i32
            %dma_wait3A_173 = arith.constant 0 : i32
            %dma_wait3A_174 = tpu.memref_slice %arg8[%dma_wait3A_172, %dma_wait3A_173] : memref<10000x128xf32, #tpu.memory_space<vmem_shared>> -> memref<10000x128xf32, #tpu.memory_space<vmem_shared>>
            tpu.wait_indirect_dma semaphore(%run_scoped3A_162 : memref<!tpu.dma_semaphore, #tpu.memory_space<semaphore_mem>>) src(%arg7 : memref<128x128xf32, #tpu.memory_space<vmem>>) dst(%dma_wait3A_174 : memref<10000x128xf32, #tpu.memory_space<vmem_shared>>)
            tpu.yield
          }) : () -> ()
        } else {
        }
        %mul3A_142 = arith.constant 2 : i32
        %mul3A_143 = arith.muli %mul3A_142, %while3A_117 : i32
        %add3A_144 = arith.constant 3 : i32
        %add3A_145 = arith.addi %mul3A_143, %add3A_144 : i32
        %lt3A_146 = arith.cmpi slt, %add3A_145, %min3A_65 : i32
        %convert_element_type3A_147 = arith.extui %lt3A_146 : i1 to i32
        %cond3A_148 = arith.constant 0 : i32
        %cond3A_149 = arith.cmpi ne, %convert_element_type3A_147, %cond3A_148 : i32
        scf.if %cond3A_149 {
          %mul3A_150 = arith.constant 2 : i32
          %mul3A_151 = arith.muli %mul3A_150, %while3A_117 : i32
          %add3A_152 = arith.constant 3 : i32
          %add3A_153 = arith.addi %mul3A_151, %add3A_152 : i32
          %dma_start3A_154 = arith.constant 0 : i32
          %dma_start3A_155 = arith.constant 0 : i32
          %dma_start3A_156 = tpu.memref_slice %arg5[%add3A_153, %dma_start3A_154, %dma_start3A_155] : memref<64x2x128xi32, #tpu.memory_space<vmem>> -> memref<1x1x128xi32, #tpu.memory_space<vmem>>
          %dma_start3A_157 = tpu.memref_squeeze %dma_start3A_156 : memref<1x1x128xi32, #tpu.memory_space<vmem>> -> memref<128xi32, #tpu.memory_space<vmem>>
          %dma_start3A_158 = arith.constant 0 : i32
          %dma_start3A_159 = arith.constant 0 : i32
          %dma_start3A_160 = tpu.memref_slice %arg3[%dma_start3A_158, %dma_start3A_159] : memref<10000x128xf32, #tpu.memory_space<hbm>> -> memref<10000x128xf32, #tpu.memory_space<hbm>>
          tpu.enqueue_indirect_dma source(%dma_start3A_160 : memref<10000x128xf32, #tpu.memory_space<hbm>>) target(%arg7 : memref<128x128xf32, #tpu.memory_space<vmem>>) offsets(%dma_start3A_157 : memref<128xi32, #tpu.memory_space<vmem>>) semaphore(%arg10 : memref<!tpu.dma_semaphore, #tpu.memory_space<semaphore_mem>>)
        } else {
        }
      }
    }
    %while3A_43 = arith.constant 1 : i32
    scf.for %while3A_57 = %while3A_41 to %while3A_37 step %while3A_43  : i32 {
      %mul3A_58 = arith.constant 64 : i32
      %mul3A_59 = arith.muli %while3A_57, %mul3A_58 : i32
      %add3A_60 = arith.addi %add3A_12, %mul3A_59 : i32
      "tpu.region"() ({
        %run_scoped3A = tpu.sem_alloc : memref<!tpu.dma_semaphore, #tpu.memory_space<semaphore_mem>>
        %dma_start3A_117 = arith.constant 0 : i32
        %dma_start3A_118 = arith.constant 0 : i32
        %dma_start3A_119 = tpu.memref_slice %arg2[%add3A_60, %dma_start3A_117, %dma_start3A_118] : memref<2564x2x128xi32, #tpu.memory_space<hbm>> -> memref<64x2x128xi32, #tpu.memory_space<hbm>>
        %dma_start3A_120 = arith.constant 0 : i32
        %dma_start3A_121 = arith.constant 0 : i32
        %dma_start3A_122 = tpu.memref_slice %arg2[%add3A_60, %dma_start3A_120, %dma_start3A_121] : memref<2564x2x128xi32, #tpu.memory_space<hbm>> -> memref<64x2x128xi32, #tpu.memory_space<hbm>>
        tpu.enqueue_dma source(%dma_start3A_122 : memref<64x2x128xi32, #tpu.memory_space<hbm>>) target(%arg5 : memref<64x2x128xi32, #tpu.memory_space<vmem>>) target_semaphore(%run_scoped3A : memref<!tpu.dma_semaphore, #tpu.memory_space<semaphore_mem>>)
        %dma_wait3A = arith.constant 0 : i32
        %dma_wait3A_123 = arith.constant 0 : i32
        %dma_wait3A_124 = tpu.memref_slice %arg2[%add3A_60, %dma_wait3A, %dma_wait3A_123] : memref<2564x2x128xi32, #tpu.memory_space<hbm>> -> memref<64x2x128xi32, #tpu.memory_space<hbm>>
        %dma_wait3A_125 = arith.constant 0 : i32
        %dma_wait3A_126 = arith.constant 0 : i32
        %dma_wait3A_127 = tpu.memref_slice %arg2[%add3A_60, %dma_wait3A_125, %dma_wait3A_126] : memref<2564x2x128xi32, #tpu.memory_space<hbm>> -> memref<64x2x128xi32, #tpu.memory_space<hbm>>
        tpu.wait_dma2 semaphore(%run_scoped3A : memref<!tpu.dma_semaphore, #tpu.memory_space<semaphore_mem>>) src(%dma_wait3A_127 : memref<64x2x128xi32, #tpu.memory_space<hbm>>) dst(%arg5 : memref<64x2x128xi32, #tpu.memory_space<vmem>>)
        tpu.yield
      }) : () -> ()
      %mul3A_61 = arith.constant 64 : i32
      %mul3A_62 = arith.muli %while3A_57, %mul3A_61 : i32
      %sub3A_63 = arith.subi %add3A_5, %mul3A_62 : i32
      %min3A_64 = arith.constant 64 : i32
      %min3A_65 = arith.minsi %sub3A_63, %min3A_64 : i32
      %dma_start3A = arith.constant 0 : i32
      %dma_start3A_66 = arith.constant 0 : i32
      %dma_start3A_67 = arith.constant 0 : i32
      %dma_start3A_68 = tpu.memref_slice %arg5[%dma_start3A, %dma_start3A_66, %dma_start3A_67] : memref<64x2x128xi32, #tpu.memory_space<vmem>> -> memref<1x1x128xi32, #tpu.memory_space<vmem>>
      %dma_start3A_69 = tpu.memref_squeeze %dma_start3A_68 : memref<1x1x128xi32, #tpu.memory_space<vmem>> -> memref<128xi32, #tpu.memory_space<vmem>>
      %dma_start3A_70 = arith.constant 0 : i32
      %dma_start3A_71 = arith.constant 0 : i32
      %dma_start3A_72 = tpu.memref_slice %arg3[%dma_start3A_70, %dma_start3A_71] : memref<10000x128xf32, #tpu.memory_space<hbm>> -> memref<10000x128xf32, #tpu.memory_space<hbm>>
      tpu.enqueue_indirect_dma source(%dma_start3A_72 : memref<10000x128xf32, #tpu.memory_space<hbm>>) target(%arg6 : memref<128x128xf32, #tpu.memory_space<vmem>>) offsets(%dma_start3A_69 : memref<128xi32, #tpu.memory_space<vmem>>) semaphore(%arg9 : memref<!tpu.dma_semaphore, #tpu.memory_space<semaphore_mem>>)
      %dma_start3A_73 = arith.constant 1 : i32
      %dma_start3A_74 = arith.constant 0 : i32
      %dma_start3A_75 = arith.constant 0 : i32
      %dma_start3A_76 = tpu.memref_slice %arg5[%dma_start3A_73, %dma_start3A_74, %dma_start3A_75] : memref<64x2x128xi32, #tpu.memory_space<vmem>> -> memref<1x1x128xi32, #tpu.memory_space<vmem>>
      %dma_start3A_77 = tpu.memref_squeeze %dma_start3A_76 : memref<1x1x128xi32, #tpu.memory_space<vmem>> -> memref<128xi32, #tpu.memory_space<vmem>>
      %dma_start3A_78 = arith.constant 0 : i32
      %dma_start3A_79 = arith.constant 0 : i32
      %dma_start3A_80 = tpu.memref_slice %arg3[%dma_start3A_78, %dma_start3A_79] : memref<10000x128xf32, #tpu.memory_space<hbm>> -> memref<10000x128xf32, #tpu.memory_space<hbm>>
      tpu.enqueue_indirect_dma source(%dma_start3A_80 : memref<10000x128xf32, #tpu.memory_space<hbm>>) target(%arg7 : memref<128x128xf32, #tpu.memory_space<vmem>>) offsets(%dma_start3A_77 : memref<128xi32, #tpu.memory_space<vmem>>) semaphore(%arg10 : memref<!tpu.dma_semaphore, #tpu.memory_space<semaphore_mem>>)
      %add3A_81 = arith.constant 1 : i32
      %add3A_82 = arith.addi %min3A_65, %add3A_81 : i32
      %jit3A_83 = arith.constant 2 : i32
      %div3A_84 = arith.divsi %add3A_82, %jit3A_83 : i32
      %sign3A_85 = arith.constant 0 : i32
      %sign3A_86 = arith.cmpi sgt, %add3A_82, %sign3A_85 : i32
      %sign3A_87 = arith.extui %sign3A_86 : i1 to i32
      %sign3A_88 = arith.constant 0 : i32
      %sign3A_89 = arith.cmpi slt, %add3A_82, %sign3A_88 : i32
      %sign3A_90 = arith.extui %sign3A_89 : i1 to i32
      %sign3A_91 = arith.subi %sign3A_87, %sign3A_90 : i32
      %sign3A_92 = arith.constant 0 : i32
      %sign3A_93 = arith.cmpi sgt, %jit3A_83, %sign3A_92 : i32
      %sign3A_94 = arith.extui %sign3A_93 : i1 to i32
      %sign3A_95 = arith.constant 0 : i32
      %sign3A_96 = arith.cmpi slt, %jit3A_83, %sign3A_95 : i32
      %sign3A_97 = arith.extui %sign3A_96 : i1 to i32
      %sign3A_98 = arith.subi %sign3A_94, %sign3A_97 : i32
      %ne3A_99 = arith.cmpi ne, %sign3A_91, %sign3A_98 : i32
      %rem3A_100 = arith.remsi %add3A_82, %jit3A_83 : i32
      %ne3A_101 = arith.constant 0 : i32
      %ne3A_102 = arith.cmpi ne, %rem3A_100, %ne3A_101 : i32
      %and3A_103 = arith.andi %ne3A_99, %ne3A_102 : i1
      %sub3A_104 = arith.constant 1 : i32
      %sub3A_105 = arith.subi %div3A_84, %sub3A_104 : i32
      %select_n3A_106 = arith.select %and3A_103, %sub3A_105, %div3A_84 : i32
      %while3A_107 = arith.constant 0 : i32
      %while3A_108 = arith.constant 0 : i32
      %while3A_109 = arith.subi %select_n3A_106, %while3A_108 : i32
      %while3A_110 = arith.addi %while3A_108, %while3A_109 : i32
      %while3A_111 = arith.constant 1 : i32
      %while3A_112 = arith.divsi %while3A_109, %while3A_111 : i32
      %while3A_113 = arith.muli %while3A_112, %while3A_111 : i32
      %while3A_114 = arith.addi %while3A_108, %while3A_113 : i32
      %while3A_115 = arith.constant 1 : i32
      scf.for %while3A_117 = %while3A_108 to %while3A_114 step %while3A_115  : i32 {
        %mul3A_118 = arith.constant 2 : i32
        %mul3A_119 = arith.muli %mul3A_118, %while3A_117 : i32
        %dma_wait3A = arith.constant 0 : i32
        %dma_wait3A_120 = arith.constant 0 : i32
        %dma_wait3A_121 = tpu.memref_slice %arg5[%mul3A_119, %dma_wait3A, %dma_wait3A_120] : memref<64x2x128xi32, #tpu.memory_space<vmem>> -> memref<1x1x128xi32, #tpu.memory_space<vmem>>
        %dma_wait3A_122 = tpu.memref_squeeze %dma_wait3A_121 : memref<1x1x128xi32, #tpu.memory_space<vmem>> -> memref<128xi32, #tpu.memory_space<vmem>>
        %dma_wait3A_123 = arith.constant 0 : i32
        %dma_wait3A_124 = arith.constant 0 : i32
        %dma_wait3A_125 = tpu.memref_slice %arg3[%dma_wait3A_123, %dma_wait3A_124] : memref<10000x128xf32, #tpu.memory_space<hbm>> -> memref<10000x128xf32, #tpu.memory_space<hbm>>
        tpu.wait_indirect_dma semaphore(%arg9 : memref<!tpu.dma_semaphore, #tpu.memory_space<semaphore_mem>>) src(%dma_wait3A_125 : memref<10000x128xf32, #tpu.memory_space<hbm>>) dst(%arg6 : memref<128x128xf32, #tpu.memory_space<vmem>>)
        %run_scoped3A = arith.constant 1 : i32
        "tpu.region"() ({
          %run_scoped3A_150 = tpu.sem_alloc : memref<!tpu.dma_semaphore, #tpu.memory_space<semaphore_mem>>
          %dma_start3A_151 = arith.constant 0 : i32
          %dma_start3A_152 = tpu.memref_slice %arg5[%mul3A_119, %run_scoped3A, %dma_start3A_151] : memref<64x2x128xi32, #tpu.memory_space<vmem>> -> memref<1x1x128xi32, #tpu.memory_space<vmem>>
          %dma_start3A_153 = tpu.memref_squeeze %dma_start3A_152 : memref<1x1x128xi32, #tpu.memory_space<vmem>> -> memref<128xi32, #tpu.memory_space<vmem>>
          %dma_start3A_154 = arith.constant 0 : i32
          %dma_start3A_155 = arith.constant 0 : i32
          %dma_start3A_156 = tpu.memref_slice %arg8[%dma_start3A_154, %dma_start3A_155] : memref<10000x128xf32, #tpu.memory_space<vmem_shared>> -> memref<10000x128xf32, #tpu.memory_space<vmem_shared>>
          tpu.enqueue_indirect_dma source(%arg6 : memref<128x128xf32, #tpu.memory_space<vmem>>) target(%dma_start3A_156 : memref<10000x128xf32, #tpu.memory_space<vmem_shared>>) offsets(%dma_start3A_153 : memref<128xi32, #tpu.memory_space<vmem>>) semaphore(%run_scoped3A_150 : memref<!tpu.dma_semaphore, #tpu.memory_space<semaphore_mem>>) {add = true}
          %dma_wait3A_157 = arith.constant 0 : i32
          %dma_wait3A_158 = tpu.memref_slice %arg5[%mul3A_119, %run_scoped3A, %dma_wait3A_157] : memref<64x2x128xi32, #tpu.memory_space<vmem>> -> memref<1x1x128xi32, #tpu.memory_space<vmem>>
          %dma_wait3A_159 = tpu.memref_squeeze %dma_wait3A_158 : memref<1x1x128xi32, #tpu.memory_space<vmem>> -> memref<128xi32, #tpu.memory_space<vmem>>
          %dma_wait3A_160 = arith.constant 0 : i32
          %dma_wait3A_161 = arith.constant 0 : i32
          %dma_wait3A_162 = tpu.memref_slice %arg8[%dma_wait3A_160, %dma_wait3A_161] : memref<10000x128xf32, #tpu.memory_space<vmem_shared>> -> memref<10000x128xf32, #tpu.memory_space<vmem_shared>>
          tpu.wait_indirect_dma semaphore(%run_scoped3A_150 : memref<!tpu.dma_semaphore, #tpu.memory_space<semaphore_mem>>) src(%arg6 : memref<128x128xf32, #tpu.memory_space<vmem>>) dst(%dma_wait3A_162 : memref<10000x128xf32, #tpu.memory_space<vmem_shared>>)
          tpu.yield
        }) : () -> ()
        %mul3A_126 = arith.constant 2 : i32
        %mul3A_127 = arith.muli %mul3A_126, %while3A_117 : i32
        %add3A_128 = arith.constant 2 : i32
        %add3A_129 = arith.addi %mul3A_127, %add3A_128 : i32
        %lt3A_130 = arith.cmpi slt, %add3A_129, %min3A_65 : i32
        %convert_element_type3A_131 = arith.extui %lt3A_130 : i1 to i32
        %cond3A_132 = arith.constant 0 : i32
        %cond3A_133 = arith.cmpi ne, %convert_element_type3A_131, %cond3A_132 : i32
        scf.if %cond3A_133 {
          %mul3A_150 = arith.constant 2 : i32
          %mul3A_151 = arith.muli %mul3A_150, %while3A_117 : i32
          %add3A_152 = arith.constant 2 : i32
          %add3A_153 = arith.addi %mul3A_151, %add3A_152 : i32
          %dma_start3A_154 = arith.constant 0 : i32
          %dma_start3A_155 = arith.constant 0 : i32
          %dma_start3A_156 = tpu.memref_slice %arg5[%add3A_153, %dma_start3A_154, %dma_start3A_155] : memref<64x2x128xi32, #tpu.memory_space<vmem>> -> memref<1x1x128xi32, #tpu.memory_space<vmem>>
          %dma_start3A_157 = tpu.memref_squeeze %dma_start3A_156 : memref<1x1x128xi32, #tpu.memory_space<vmem>> -> memref<128xi32, #tpu.memory_space<vmem>>
          %dma_start3A_158 = arith.constant 0 : i32
          %dma_start3A_159 = arith.constant 0 : i32
          %dma_start3A_160 = tpu.memref_slice %arg3[%dma_start3A_158, %dma_start3A_159] : memref<10000x128xf32, #tpu.memory_space<hbm>> -> memref<10000x128xf32, #tpu.memory_space<hbm>>
          tpu.enqueue_indirect_dma source(%dma_start3A_160 : memref<10000x128xf32, #tpu.memory_space<hbm>>) target(%arg6 : memref<128x128xf32, #tpu.memory_space<vmem>>) offsets(%dma_start3A_157 : memref<128xi32, #tpu.memory_space<vmem>>) semaphore(%arg9 : memref<!tpu.dma_semaphore, #tpu.memory_space<semaphore_mem>>)
        } else {
        }
        %mul3A_134 = arith.constant 2 : i32
        %mul3A_135 = arith.muli %mul3A_134, %while3A_117 : i32
        %add3A_136 = arith.constant 1 : i32
        %add3A_137 = arith.addi %mul3A_135, %add3A_136 : i32
        %lt3A_138 = arith.cmpi slt, %add3A_137, %min3A_65 : i32
        %convert_element_type3A_139 = arith.extui %lt3A_138 : i1 to i32
        %cond3A_140 = arith.constant 0 : i32
        %cond3A_141 = arith.cmpi ne, %convert_element_type3A_139, %cond3A_140 : i32
        scf.if %cond3A_141 {
          %mul3A_150 = arith.constant 2 : i32
          %mul3A_151 = arith.muli %mul3A_150, %while3A_117 : i32
          %add3A_152 = arith.constant 1 : i32
          %add3A_153 = arith.addi %mul3A_151, %add3A_152 : i32
          %dma_wait3A_154 = arith.constant 0 : i32
          %dma_wait3A_155 = arith.constant 0 : i32
          %dma_wait3A_156 = tpu.memref_slice %arg5[%add3A_153, %dma_wait3A_154, %dma_wait3A_155] : memref<64x2x128xi32, #tpu.memory_space<vmem>> -> memref<1x1x128xi32, #tpu.memory_space<vmem>>
          %dma_wait3A_157 = tpu.memref_squeeze %dma_wait3A_156 : memref<1x1x128xi32, #tpu.memory_space<vmem>> -> memref<128xi32, #tpu.memory_space<vmem>>
          %dma_wait3A_158 = arith.constant 0 : i32
          %dma_wait3A_159 = arith.constant 0 : i32
          %dma_wait3A_160 = tpu.memref_slice %arg3[%dma_wait3A_158, %dma_wait3A_159] : memref<10000x128xf32, #tpu.memory_space<hbm>> -> memref<10000x128xf32, #tpu.memory_space<hbm>>
          tpu.wait_indirect_dma semaphore(%arg10 : memref<!tpu.dma_semaphore, #tpu.memory_space<semaphore_mem>>) src(%dma_wait3A_160 : memref<10000x128xf32, #tpu.memory_space<hbm>>) dst(%arg7 : memref<128x128xf32, #tpu.memory_space<vmem>>)
          %run_scoped3A_161 = arith.constant 1 : i32
          "tpu.region"() ({
            %run_scoped3A_162 = tpu.sem_alloc : memref<!tpu.dma_semaphore, #tpu.memory_space<semaphore_mem>>
            %dma_start3A_163 = arith.constant 0 : i32
            %dma_start3A_164 = tpu.memref_slice %arg5[%add3A_153, %run_scoped3A_161, %dma_start3A_163] : memref<64x2x128xi32, #tpu.memory_space<vmem>> -> memref<1x1x128xi32, #tpu.memory_space<vmem>>
            %dma_start3A_165 = tpu.memref_squeeze %dma_start3A_164 : memref<1x1x128xi32, #tpu.memory_space<vmem>> -> memref<128xi32, #tpu.memory_space<vmem>>
            %dma_start3A_166 = arith.constant 0 : i32
            %dma_start3A_167 = arith.constant 0 : i32
            %dma_start3A_168 = tpu.memref_slice %arg8[%dma_start3A_166, %dma_start3A_167] : memref<10000x128xf32, #tpu.memory_space<vmem_shared>> -> memref<10000x128xf32, #tpu.memory_space<vmem_shared>>
            tpu.enqueue_indirect_dma source(%arg7 : memref<128x128xf32, #tpu.memory_space<vmem>>) target(%dma_start3A_168 : memref<10000x128xf32, #tpu.memory_space<vmem_shared>>) offsets(%dma_start3A_165 : memref<128xi32, #tpu.memory_space<vmem>>) semaphore(%run_scoped3A_162 : memref<!tpu.dma_semaphore, #tpu.memory_space<semaphore_mem>>) {add = true}
            %dma_wait3A_169 = arith.constant 0 : i32
            %dma_wait3A_170 = tpu.memref_slice %arg5[%add3A_153, %run_scoped3A_161, %dma_wait3A_169] : memref<64x2x128xi32, #tpu.memory_space<vmem>> -> memref<1x1x128xi32, #tpu.memory_space<vmem>>
            %dma_wait3A_171 = tpu.memref_squeeze %dma_wait3A_170 : memref<1x1x128xi32, #tpu.memory_space<vmem>> -> memref<128xi32, #tpu.memory_space<vmem>>
            %dma_wait3A_172 = arith.constant 0 : i32
            %dma_wait3A_173 = arith.constant 0 : i32
            %dma_wait3A_174 = tpu.memref_slice %arg8[%dma_wait3A_172, %dma_wait3A_173] : memref<10000x128xf32, #tpu.memory_space<vmem_shared>> -> memref<10000x128xf32, #tpu.memory_space<vmem_shared>>
            tpu.wait_indirect_dma semaphore(%run_scoped3A_162 : memref<!tpu.dma_semaphore, #tpu.memory_space<semaphore_mem>>) src(%arg7 : memref<128x128xf32, #tpu.memory_space<vmem>>) dst(%dma_wait3A_174 : memref<10000x128xf32, #tpu.memory_space<vmem_shared>>)
            tpu.yield
          }) : () -> ()
        } else {
        }
        %mul3A_142 = arith.constant 2 : i32
        %mul3A_143 = arith.muli %mul3A_142, %while3A_117 : i32
        %add3A_144 = arith.constant 3 : i32
        %add3A_145 = arith.addi %mul3A_143, %add3A_144 : i32
        %lt3A_146 = arith.cmpi slt, %add3A_145, %min3A_65 : i32
        %convert_element_type3A_147 = arith.extui %lt3A_146 : i1 to i32
        %cond3A_148 = arith.constant 0 : i32
        %cond3A_149 = arith.cmpi ne, %convert_element_type3A_147, %cond3A_148 : i32
        scf.if %cond3A_149 {
          %mul3A_150 = arith.constant 2 : i32
          %mul3A_151 = arith.muli %mul3A_150, %while3A_117 : i32
          %add3A_152 = arith.constant 3 : i32
          %add3A_153 = arith.addi %mul3A_151, %add3A_152 : i32
          %dma_start3A_154 = arith.constant 0 : i32
          %dma_start3A_155 = arith.constant 0 : i32
          %dma_start3A_156 = tpu.memref_slice %arg5[%add3A_153, %dma_start3A_154, %dma_start3A_155] : memref<64x2x128xi32, #tpu.memory_space<vmem>> -> memref<1x1x128xi32, #tpu.memory_space<vmem>>
          %dma_start3A_157 = tpu.memref_squeeze %dma_start3A_156 : memref<1x1x128xi32, #tpu.memory_space<vmem>> -> memref<128xi32, #tpu.memory_space<vmem>>
          %dma_start3A_158 = arith.constant 0 : i32
          %dma_start3A_159 = arith.constant 0 : i32
          %dma_start3A_160 = tpu.memref_slice %arg3[%dma_start3A_158, %dma_start3A_159] : memref<10000x128xf32, #tpu.memory_space<hbm>> -> memref<10000x128xf32, #tpu.memory_space<hbm>>
          tpu.enqueue_indirect_dma source(%dma_start3A_160 : memref<10000x128xf32, #tpu.memory_space<hbm>>) target(%arg7 : memref<128x128xf32, #tpu.memory_space<vmem>>) offsets(%dma_start3A_157 : memref<128xi32, #tpu.memory_space<vmem>>) semaphore(%arg10 : memref<!tpu.dma_semaphore, #tpu.memory_space<semaphore_mem>>)
        } else {
        }
      }
      %while3A_116 = arith.constant 1 : i32
      scf.for %while3A_117 = %while3A_114 to %while3A_110 step %while3A_116  : i32 {
        %mul3A_118 = arith.constant 2 : i32
        %mul3A_119 = arith.muli %mul3A_118, %while3A_117 : i32
        %dma_wait3A = arith.constant 0 : i32
        %dma_wait3A_120 = arith.constant 0 : i32
        %dma_wait3A_121 = tpu.memref_slice %arg5[%mul3A_119, %dma_wait3A, %dma_wait3A_120] : memref<64x2x128xi32, #tpu.memory_space<vmem>> -> memref<1x1x128xi32, #tpu.memory_space<vmem>>
        %dma_wait3A_122 = tpu.memref_squeeze %dma_wait3A_121 : memref<1x1x128xi32, #tpu.memory_space<vmem>> -> memref<128xi32, #tpu.memory_space<vmem>>
        %dma_wait3A_123 = arith.constant 0 : i32
        %dma_wait3A_124 = arith.constant 0 : i32
        %dma_wait3A_125 = tpu.memref_slice %arg3[%dma_wait3A_123, %dma_wait3A_124] : memref<10000x128xf32, #tpu.memory_space<hbm>> -> memref<10000x128xf32, #tpu.memory_space<hbm>>
        tpu.wait_indirect_dma semaphore(%arg9 : memref<!tpu.dma_semaphore, #tpu.memory_space<semaphore_mem>>) src(%dma_wait3A_125 : memref<10000x128xf32, #tpu.memory_space<hbm>>) dst(%arg6 : memref<128x128xf32, #tpu.memory_space<vmem>>)
        %run_scoped3A = arith.constant 1 : i32
        "tpu.region"() ({
          %run_scoped3A_150 = tpu.sem_alloc : memref<!tpu.dma_semaphore, #tpu.memory_space<semaphore_mem>>
          %dma_start3A_151 = arith.constant 0 : i32
          %dma_start3A_152 = tpu.memref_slice %arg5[%mul3A_119, %run_scoped3A, %dma_start3A_151] : memref<64x2x128xi32, #tpu.memory_space<vmem>> -> memref<1x1x128xi32, #tpu.memory_space<vmem>>
          %dma_start3A_153 = tpu.memref_squeeze %dma_start3A_152 : memref<1x1x128xi32, #tpu.memory_space<vmem>> -> memref<128xi32, #tpu.memory_space<vmem>>
          %dma_start3A_154 = arith.constant 0 : i32
          %dma_start3A_155 = arith.constant 0 : i32
          %dma_start3A_156 = tpu.memref_slice %arg8[%dma_start3A_154, %dma_start3A_155] : memref<10000x128xf32, #tpu.memory_space<vmem_shared>> -> memref<10000x128xf32, #tpu.memory_space<vmem_shared>>
          tpu.enqueue_indirect_dma source(%arg6 : memref<128x128xf32, #tpu.memory_space<vmem>>) target(%dma_start3A_156 : memref<10000x128xf32, #tpu.memory_space<vmem_shared>>) offsets(%dma_start3A_153 : memref<128xi32, #tpu.memory_space<vmem>>) semaphore(%run_scoped3A_150 : memref<!tpu.dma_semaphore, #tpu.memory_space<semaphore_mem>>) {add = true}
          %dma_wait3A_157 = arith.constant 0 : i32
          %dma_wait3A_158 = tpu.memref_slice %arg5[%mul3A_119, %run_scoped3A, %dma_wait3A_157] : memref<64x2x128xi32, #tpu.memory_space<vmem>> -> memref<1x1x128xi32, #tpu.memory_space<vmem>>
          %dma_wait3A_159 = tpu.memref_squeeze %dma_wait3A_158 : memref<1x1x128xi32, #tpu.memory_space<vmem>> -> memref<128xi32, #tpu.memory_space<vmem>>
          %dma_wait3A_160 = arith.constant 0 : i32
          %dma_wait3A_161 = arith.constant 0 : i32
          %dma_wait3A_162 = tpu.memref_slice %arg8[%dma_wait3A_160, %dma_wait3A_161] : memref<10000x128xf32, #tpu.memory_space<vmem_shared>> -> memref<10000x128xf32, #tpu.memory_space<vmem_shared>>
          tpu.wait_indirect_dma semaphore(%run_scoped3A_150 : memref<!tpu.dma_semaphore, #tpu.memory_space<semaphore_mem>>) src(%arg6 : memref<128x128xf32, #tpu.memory_space<vmem>>) dst(%dma_wait3A_162 : memref<10000x128xf32, #tpu.memory_space<vmem_shared>>)
          tpu.yield
        }) : () -> ()
        %mul3A_126 = arith.constant 2 : i32
        %mul3A_127 = arith.muli %mul3A_126, %while3A_117 : i32
        %add3A_128 = arith.constant 2 : i32
        %add3A_129 = arith.addi %mul3A_127, %add3A_128 : i32
        %lt3A_130 = arith.cmpi slt, %add3A_129, %min3A_65 : i32
        %convert_element_type3A_131 = arith.extui %lt3A_130 : i1 to i32
        %cond3A_132 = arith.constant 0 : i32
        %cond3A_133 = arith.cmpi ne, %convert_element_type3A_131, %cond3A_132 : i32
        scf.if %cond3A_133 {
          %mul3A_150 = arith.constant 2 : i32
          %mul3A_151 = arith.muli %mul3A_150, %while3A_117 : i32
          %add3A_152 = arith.constant 2 : i32
          %add3A_153 = arith.addi %mul3A_151, %add3A_152 : i32
          %dma_start3A_154 = arith.constant 0 : i32
          %dma_start3A_155 = arith.constant 0 : i32
          %dma_start3A_156 = tpu.memref_slice %arg5[%add3A_153, %dma_start3A_154, %dma_start3A_155] : memref<64x2x128xi32, #tpu.memory_space<vmem>> -> memref<1x1x128xi32, #tpu.memory_space<vmem>>
          %dma_start3A_157 = tpu.memref_squeeze %dma_start3A_156 : memref<1x1x128xi32, #tpu.memory_space<vmem>> -> memref<128xi32, #tpu.memory_space<vmem>>
          %dma_start3A_158 = arith.constant 0 : i32
          %dma_start3A_159 = arith.constant 0 : i32
          %dma_start3A_160 = tpu.memref_slice %arg3[%dma_start3A_158, %dma_start3A_159] : memref<10000x128xf32, #tpu.memory_space<hbm>> -> memref<10000x128xf32, #tpu.memory_space<hbm>>
          tpu.enqueue_indirect_dma source(%dma_start3A_160 : memref<10000x128xf32, #tpu.memory_space<hbm>>) target(%arg6 : memref<128x128xf32, #tpu.memory_space<vmem>>) offsets(%dma_start3A_157 : memref<128xi32, #tpu.memory_space<vmem>>) semaphore(%arg9 : memref<!tpu.dma_semaphore, #tpu.memory_space<semaphore_mem>>)
        } else {
        }
        %mul3A_134 = arith.constant 2 : i32
        %mul3A_135 = arith.muli %mul3A_134, %while3A_117 : i32
        %add3A_136 = arith.constant 1 : i32
        %add3A_137 = arith.addi %mul3A_135, %add3A_136 : i32
        %lt3A_138 = arith.cmpi slt, %add3A_137, %min3A_65 : i32
        %convert_element_type3A_139 = arith.extui %lt3A_138 : i1 to i32
        %cond3A_140 = arith.constant 0 : i32
        %cond3A_141 = arith.cmpi ne, %convert_element_type3A_139, %cond3A_140 : i32
        scf.if %cond3A_141 {
          %mul3A_150 = arith.constant 2 : i32
          %mul3A_151 = arith.muli %mul3A_150, %while3A_117 : i32
          %add3A_152 = arith.constant 1 : i32
          %add3A_153 = arith.addi %mul3A_151, %add3A_152 : i32
          %dma_wait3A_154 = arith.constant 0 : i32
          %dma_wait3A_155 = arith.constant 0 : i32
          %dma_wait3A_156 = tpu.memref_slice %arg5[%add3A_153, %dma_wait3A_154, %dma_wait3A_155] : memref<64x2x128xi32, #tpu.memory_space<vmem>> -> memref<1x1x128xi32, #tpu.memory_space<vmem>>
          %dma_wait3A_157 = tpu.memref_squeeze %dma_wait3A_156 : memref<1x1x128xi32, #tpu.memory_space<vmem>> -> memref<128xi32, #tpu.memory_space<vmem>>
          %dma_wait3A_158 = arith.constant 0 : i32
          %dma_wait3A_159 = arith.constant 0 : i32
          %dma_wait3A_160 = tpu.memref_slice %arg3[%dma_wait3A_158, %dma_wait3A_159] : memref<10000x128xf32, #tpu.memory_space<hbm>> -> memref<10000x128xf32, #tpu.memory_space<hbm>>
          tpu.wait_indirect_dma semaphore(%arg10 : memref<!tpu.dma_semaphore, #tpu.memory_space<semaphore_mem>>) src(%dma_wait3A_160 : memref<10000x128xf32, #tpu.memory_space<hbm>>) dst(%arg7 : memref<128x128xf32, #tpu.memory_space<vmem>>)
          %run_scoped3A_161 = arith.constant 1 : i32
          "tpu.region"() ({
            %run_scoped3A_162 = tpu.sem_alloc : memref<!tpu.dma_semaphore, #tpu.memory_space<semaphore_mem>>
            %dma_start3A_163 = arith.constant 0 : i32
            %dma_start3A_164 = tpu.memref_slice %arg5[%add3A_153, %run_scoped3A_161, %dma_start3A_163] : memref<64x2x128xi32, #tpu.memory_space<vmem>> -> memref<1x1x128xi32, #tpu.memory_space<vmem>>
            %dma_start3A_165 = tpu.memref_squeeze %dma_start3A_164 : memref<1x1x128xi32, #tpu.memory_space<vmem>> -> memref<128xi32, #tpu.memory_space<vmem>>
            %dma_start3A_166 = arith.constant 0 : i32
            %dma_start3A_167 = arith.constant 0 : i32
            %dma_start3A_168 = tpu.memref_slice %arg8[%dma_start3A_166, %dma_start3A_167] : memref<10000x128xf32, #tpu.memory_space<vmem_shared>> -> memref<10000x128xf32, #tpu.memory_space<vmem_shared>>
            tpu.enqueue_indirect_dma source(%arg7 : memref<128x128xf32, #tpu.memory_space<vmem>>) target(%dma_start3A_168 : memref<10000x128xf32, #tpu.memory_space<vmem_shared>>) offsets(%dma_start3A_165 : memref<128xi32, #tpu.memory_space<vmem>>) semaphore(%run_scoped3A_162 : memref<!tpu.dma_semaphore, #tpu.memory_space<semaphore_mem>>) {add = true}
            %dma_wait3A_169 = arith.constant 0 : i32
            %dma_wait3A_170 = tpu.memref_slice %arg5[%add3A_153, %run_scoped3A_161, %dma_wait3A_169] : memref<64x2x128xi32, #tpu.memory_space<vmem>> -> memref<1x1x128xi32, #tpu.memory_space<vmem>>
            %dma_wait3A_171 = tpu.memref_squeeze %dma_wait3A_170 : memref<1x1x128xi32, #tpu.memory_space<vmem>> -> memref<128xi32, #tpu.memory_space<vmem>>
            %dma_wait3A_172 = arith.constant 0 : i32
            %dma_wait3A_173 = arith.constant 0 : i32
            %dma_wait3A_174 = tpu.memref_slice %arg8[%dma_wait3A_172, %dma_wait3A_173] : memref<10000x128xf32, #tpu.memory_space<vmem_shared>> -> memref<10000x128xf32, #tpu.memory_space<vmem_shared>>
            tpu.wait_indirect_dma semaphore(%run_scoped3A_162 : memref<!tpu.dma_semaphore, #tpu.memory_space<semaphore_mem>>) src(%arg7 : memref<128x128xf32, #tpu.memory_space<vmem>>) dst(%dma_wait3A_174 : memref<10000x128xf32, #tpu.memory_space<vmem_shared>>)
            tpu.yield
          }) : () -> ()
        } else {
        }
        %mul3A_142 = arith.constant 2 : i32
        %mul3A_143 = arith.muli %mul3A_142, %while3A_117 : i32
        %add3A_144 = arith.constant 3 : i32
        %add3A_145 = arith.addi %mul3A_143, %add3A_144 : i32
        %lt3A_146 = arith.cmpi slt, %add3A_145, %min3A_65 : i32
        %convert_element_type3A_147 = arith.extui %lt3A_146 : i1 to i32
        %cond3A_148 = arith.constant 0 : i32
        %cond3A_149 = arith.cmpi ne, %convert_element_type3A_147, %cond3A_148 : i32
        scf.if %cond3A_149 {
          %mul3A_150 = arith.constant 2 : i32
          %mul3A_151 = arith.muli %mul3A_150, %while3A_117 : i32
          %add3A_152 = arith.constant 3 : i32
          %add3A_153 = arith.addi %mul3A_151, %add3A_152 : i32
          %dma_start3A_154 = arith.constant 0 : i32
          %dma_start3A_155 = arith.constant 0 : i32
          %dma_start3A_156 = tpu.memref_slice %arg5[%add3A_153, %dma_start3A_154, %dma_start3A_155] : memref<64x2x128xi32, #tpu.memory_space<vmem>> -> memref<1x1x128xi32, #tpu.memory_space<vmem>>
          %dma_start3A_157 = tpu.memref_squeeze %dma_start3A_156 : memref<1x1x128xi32, #tpu.memory_space<vmem>> -> memref<128xi32, #tpu.memory_space<vmem>>
          %dma_start3A_158 = arith.constant 0 : i32
          %dma_start3A_159 = arith.constant 0 : i32
          %dma_start3A_160 = tpu.memref_slice %arg3[%dma_start3A_158, %dma_start3A_159] : memref<10000x128xf32, #tpu.memory_space<hbm>> -> memref<10000x128xf32, #tpu.memory_space<hbm>>
          tpu.enqueue_indirect_dma source(%dma_start3A_160 : memref<10000x128xf32, #tpu.memory_space<hbm>>) target(%arg7 : memref<128x128xf32, #tpu.memory_space<vmem>>) offsets(%dma_start3A_157 : memref<128xi32, #tpu.memory_space<vmem>>) semaphore(%arg10 : memref<!tpu.dma_semaphore, #tpu.memory_space<semaphore_mem>>)
        } else {
        }
      }
    }
    %barrier3A_44 = arith.constant 0 : index
    tpu.barrier barrier_id(%barrier3A_44)
    %mul3A_45 = arith.constant 624 : i32
    %mul3A_46 = arith.muli %arg1, %mul3A_45 : i32
    %lt3A_47 = arith.constant 15 : i32
    %lt3A_48 = arith.cmpi slt, %arg1, %lt3A_47 : i32
    %convert_element_type3A_49 = arith.extui %lt3A_48 : i1 to i32
    %cond3A_50 = arith.constant 0 : i32
    %cond3A_51 = arith.cmpi ne, %convert_element_type3A_49, %cond3A_50 : i32
    scf.if %cond3A_51 {
      %add3A_57 = arith.addi %multiple_of3A, %mul3A_46 : i32
      "tpu.region"() ({
        %run_scoped3A = tpu.sem_alloc : memref<!tpu.dma_semaphore, #tpu.memory_space<semaphore_mem>>
        %dma_start3A = arith.constant 0 : i32
        %dma_start3A_58 = tpu.memref_slice %arg4[%add3A_57, %dma_start3A] : memref<20000x128xf32, #tpu.memory_space<hbm>> -> memref<624x128xf32, #tpu.memory_space<hbm>>
        %dma_start3A_59 = arith.constant 0 : i32
        %dma_start3A_60 = tpu.memref_slice %arg8[%mul3A_46, %dma_start3A_59] : memref<10000x128xf32, #tpu.memory_space<vmem_shared>> -> memref<624x128xf32, #tpu.memory_space<vmem_shared>>
        tpu.enqueue_dma source(%dma_start3A_60 : memref<624x128xf32, #tpu.memory_space<vmem_shared>>) target(%dma_start3A_58 : memref<624x128xf32, #tpu.memory_space<hbm>>) target_semaphore(%run_scoped3A : memref<!tpu.dma_semaphore, #tpu.memory_space<semaphore_mem>>)
        %dma_wait3A = arith.constant 0 : i32
        %dma_wait3A_61 = tpu.memref_slice %arg4[%add3A_57, %dma_wait3A] : memref<20000x128xf32, #tpu.memory_space<hbm>> -> memref<624x128xf32, #tpu.memory_space<hbm>>
        %dma_wait3A_62 = arith.constant 0 : i32
        %dma_wait3A_63 = tpu.memref_slice %arg8[%mul3A_46, %dma_wait3A_62] : memref<10000x128xf32, #tpu.memory_space<vmem_shared>> -> memref<624x128xf32, #tpu.memory_space<vmem_shared>>
        tpu.wait_dma2 semaphore(%run_scoped3A : memref<!tpu.dma_semaphore, #tpu.memory_space<semaphore_mem>>) src(%dma_wait3A_63 : memref<624x128xf32, #tpu.memory_space<vmem_shared>>) dst(%dma_wait3A_61 : memref<624x128xf32, #tpu.memory_space<hbm>>)
        tpu.yield
      }) : () -> ()
    } else {
    }
    %eq3A_52 = arith.constant 15 : i32
    %eq3A_53 = arith.cmpi eq, %arg1, %eq3A_52 : i32
    %convert_element_type3A_54 = arith.extui %eq3A_53 : i1 to i32
    %cond3A_55 = arith.constant 0 : i32
    %cond3A_56 = arith.cmpi ne, %convert_element_type3A_54, %cond3A_55 : i32
    scf.if %cond3A_56 {
      %add3A_57 = arith.constant 9360 : i32
      %add3A_58 = arith.addi %multiple_of3A, %add3A_57 : i32
      "tpu.region"() ({
        %run_scoped3A = tpu.sem_alloc : memref<!tpu.dma_semaphore, #tpu.memory_space<semaphore_mem>>
        %dma_start3A = arith.constant 0 : i32
        %dma_start3A_59 = tpu.memref_slice %arg4[%add3A_58, %dma_start3A] : memref<20000x128xf32, #tpu.memory_space<hbm>> -> memref<640x128xf32, #tpu.memory_space<hbm>>
        %dma_start3A_60 = arith.constant 9360 : i32
        %dma_start3A_61 = arith.constant 0 : i32
        %dma_start3A_62 = tpu.memref_slice %arg8[%dma_start3A_60, %dma_start3A_61] : memref<10000x128xf32, #tpu.memory_space<vmem_shared>> -> memref<640x128xf32, #tpu.memory_space<vmem_shared>>
        tpu.enqueue_dma source(%dma_start3A_62 : memref<640x128xf32, #tpu.memory_space<vmem_shared>>) target(%dma_start3A_59 : memref<640x128xf32, #tpu.memory_space<hbm>>) target_semaphore(%run_scoped3A : memref<!tpu.dma_semaphore, #tpu.memory_space<semaphore_mem>>)
        %dma_wait3A = arith.constant 0 : i32
        %dma_wait3A_63 = tpu.memref_slice %arg4[%add3A_58, %dma_wait3A] : memref<20000x128xf32, #tpu.memory_space<hbm>> -> memref<640x128xf32, #tpu.memory_space<hbm>>
        %dma_wait3A_64 = arith.constant 9360 : i32
        %dma_wait3A_65 = arith.constant 0 : i32
        %dma_wait3A_66 = tpu.memref_slice %arg8[%dma_wait3A_64, %dma_wait3A_65] : memref<10000x128xf32, #tpu.memory_space<vmem_shared>> -> memref<640x128xf32, #tpu.memory_space<vmem_shared>>
        tpu.wait_dma2 semaphore(%run_scoped3A : memref<!tpu.dma_semaphore, #tpu.memory_space<semaphore_mem>>) src(%dma_wait3A_66 : memref<640x128xf32, #tpu.memory_space<vmem_shared>>) dst(%dma_wait3A_63 : memref<640x128xf32, #tpu.memory_space<hbm>>)
        tpu.yield
      }) : () -> ()
    } else {
    }
    return
  }
}

#map = affine_map<(d0, d1) -> (0, 0, 0)>
#map1 = affine_map<(d0, d1) -> (0, 0)>
module attributes {stable_mosaic.version = 14 : i64} {
  func.func @_agg_pair(%arg0: i32, %arg1: i32, %arg2: memref<5064x2x128xi32, #tpu.memory_space<hbm>>, %arg3: memref<20000x128xf32, #tpu.memory_space<hbm>>, %arg4: memref<20000x128xf32, #tpu.memory_space<hbm>>, %arg5: memref<64x2x128xi32, #tpu.memory_space<vmem>>, %arg6: memref<128x128xf32, #tpu.memory_space<vmem>>, %arg7: memref<128x128xf32, #tpu.memory_space<vmem>>, %arg8: memref<10000x128xf32, #tpu.memory_space<vmem_shared>>, %arg9: memref<!tpu.dma_semaphore, #tpu.memory_space<semaphore_mem>>, %arg10: memref<!tpu.dma_semaphore, #tpu.memory_space<semaphore_mem>>) attributes {dimension_semantics = [#tpu.dimension_semantics<core_parallel>, #tpu.dimension_semantics<subcore_parallel>], iteration_bounds = array<i64: 2, 16>, scalar_prefetch = 0 : i64, scratch_operands = 6 : i64, tpu.core_type = #tpu.core_type<sc_vector_subcore>, window_params = [{transform_indices = #map}, {transform_indices = #map1}, {transform_indices = #map1}]} {
    %mul3A = arith.constant 10000 : i32
    %mul3A_0 = arith.muli %arg0, %mul3A : i32
    %multiple_of3A = tpu.assume_multiple %mul3A_0, 8 : i32
    %eq3A = arith.constant 0 : i32
    %eq3A_1 = arith.cmpi eq, %arg1, %eq3A : i32
    %convert_element_type3A = arith.extui %eq3A_1 : i1 to i32
    %cond3A = arith.constant 0 : i32
    %cond3A_2 = arith.cmpi ne, %convert_element_type3A, %cond3A : i32
    scf.if %cond3A_2 {
      "tpu.region"() ({
        %run_scoped3A = tpu.sem_alloc : memref<!tpu.dma_semaphore, #tpu.memory_space<semaphore_mem>>
        %dma_start3A = arith.constant 0 : i32
        %dma_start3A_57 = tpu.memref_slice %arg3[%multiple_of3A, %dma_start3A] : memref<20000x128xf32, #tpu.memory_space<hbm>> -> memref<10000x128xf32, #tpu.memory_space<hbm>>
        tpu.enqueue_dma source(%dma_start3A_57 : memref<10000x128xf32, #tpu.memory_space<hbm>>) target(%arg8 : memref<10000x128xf32, #tpu.memory_space<vmem_shared>>) target_semaphore(%run_scoped3A : memref<!tpu.dma_semaphore, #tpu.memory_space<semaphore_mem>>)
        %dma_wait3A = arith.constant 0 : i32
        %dma_wait3A_58 = tpu.memref_slice %arg3[%multiple_of3A, %dma_wait3A] : memref<20000x128xf32, #tpu.memory_space<hbm>> -> memref<10000x128xf32, #tpu.memory_space<hbm>>
        tpu.wait_dma2 semaphore(%run_scoped3A : memref<!tpu.dma_semaphore, #tpu.memory_space<semaphore_mem>>) src(%dma_wait3A_58 : memref<10000x128xf32, #tpu.memory_space<hbm>>) dst(%arg8 : memref<10000x128xf32, #tpu.memory_space<vmem_shared>>)
        tpu.yield
      }) : () -> ()
    } else {
    }
    %barrier3A = arith.constant 0 : index
    tpu.barrier barrier_id(%barrier3A)
    %lt3A = arith.constant 4 : i32
    %lt3A_3 = arith.cmpi slt, %arg1, %lt3A : i32
    %jit3A = arith.constant 1 : i32
    %jit3A_4 = arith.constant 0 : i32
    %select_n3A = arith.select %lt3A_3, %jit3A, %jit3A_4 : i32
    %add3A = arith.constant 156 : i32
    %add3A_5 = arith.addi %add3A, %select_n3A : i32
    %mul3A_6 = arith.constant 2500 : i32
    %mul3A_7 = arith.muli %arg0, %mul3A_6 : i32
    %mul3A_8 = arith.constant 156 : i32
    %mul3A_9 = arith.muli %arg1, %mul3A_8 : i32
    %add3A_10 = arith.addi %mul3A_7, %mul3A_9 : i32
    %min3A = arith.constant 4 : i32
    %min3A_11 = arith.minsi %arg1, %min3A : i32
    %add3A_12 = arith.addi %add3A_10, %min3A_11 : i32
    %add3A_13 = arith.constant 64 : i32
    %add3A_14 = arith.addi %add3A_5, %add3A_13 : i32
    %sub3A = arith.constant 1 : i32
    %sub3A_15 = arith.subi %add3A_14, %sub3A : i32
    %jit3A_16 = arith.constant 64 : i32
    %div3A = arith.divsi %sub3A_15, %jit3A_16 : i32
    %sign3A = arith.constant 0 : i32
    %sign3A_17 = arith.cmpi sgt, %sub3A_15, %sign3A : i32
    %sign3A_18 = arith.extui %sign3A_17 : i1 to i32
    %sign3A_19 = arith.constant 0 : i32
    %sign3A_20 = arith.cmpi slt, %sub3A_15, %sign3A_19 : i32
    %sign3A_21 = arith.extui %sign3A_20 : i1 to i32
    %sign3A_22 = arith.subi %sign3A_18, %sign3A_21 : i32
    %sign3A_23 = arith.constant 0 : i32
    %sign3A_24 = arith.cmpi sgt, %jit3A_16, %sign3A_23 : i32
    %sign3A_25 = arith.extui %sign3A_24 : i1 to i32
    %sign3A_26 = arith.constant 0 : i32
    %sign3A_27 = arith.cmpi slt, %jit3A_16, %sign3A_26 : i32
    %sign3A_28 = arith.extui %sign3A_27 : i1 to i32
    %sign3A_29 = arith.subi %sign3A_25, %sign3A_28 : i32
    %ne3A = arith.cmpi ne, %sign3A_22, %sign3A_29 : i32
    %rem3A = arith.remsi %sub3A_15, %jit3A_16 : i32
    %ne3A_30 = arith.constant 0 : i32
    %ne3A_31 = arith.cmpi ne, %rem3A, %ne3A_30 : i32
    %and3A = arith.andi %ne3A, %ne3A_31 : i1
    %sub3A_32 = arith.constant 1 : i32
    %sub3A_33 = arith.subi %div3A, %sub3A_32 : i32
    %select_n3A_34 = arith.select %and3A, %sub3A_33, %div3A : i32
    %while3A = arith.constant 0 : i32
    %while3A_35 = arith.constant 0 : i32
    %while3A_36 = arith.subi %select_n3A_34, %while3A_35 : i32
    %while3A_37 = arith.addi %while3A_35, %while3A_36 : i32
    %while3A_38 = arith.constant 1 : i32
    %while3A_39 = arith.divsi %while3A_36, %while3A_38 : i32
    %while3A_40 = arith.muli %while3A_39, %while3A_38 : i32
    %while3A_41 = arith.addi %while3A_35, %while3A_40 : i32
    %while3A_42 = arith.constant 1 : i32
    scf.for %while3A_57 = %while3A_35 to %while3A_41 step %while3A_42  : i32 {
      %mul3A_58 = arith.constant 64 : i32
      %mul3A_59 = arith.muli %while3A_57, %mul3A_58 : i32
      %add3A_60 = arith.addi %add3A_12, %mul3A_59 : i32
      "tpu.region"() ({
        %run_scoped3A = tpu.sem_alloc : memref<!tpu.dma_semaphore, #tpu.memory_space<semaphore_mem>>
        %dma_start3A_117 = arith.constant 0 : i32
        %dma_start3A_118 = arith.constant 0 : i32
        %dma_start3A_119 = tpu.memref_slice %arg2[%add3A_60, %dma_start3A_117, %dma_start3A_118] : memref<5064x2x128xi32, #tpu.memory_space<hbm>> -> memref<64x2x128xi32, #tpu.memory_space<hbm>>
        %dma_start3A_120 = arith.constant 0 : i32
        %dma_start3A_121 = arith.constant 0 : i32
        %dma_start3A_122 = tpu.memref_slice %arg2[%add3A_60, %dma_start3A_120, %dma_start3A_121] : memref<5064x2x128xi32, #tpu.memory_space<hbm>> -> memref<64x2x128xi32, #tpu.memory_space<hbm>>
        tpu.enqueue_dma source(%dma_start3A_122 : memref<64x2x128xi32, #tpu.memory_space<hbm>>) target(%arg5 : memref<64x2x128xi32, #tpu.memory_space<vmem>>) target_semaphore(%run_scoped3A : memref<!tpu.dma_semaphore, #tpu.memory_space<semaphore_mem>>)
        %dma_wait3A = arith.constant 0 : i32
        %dma_wait3A_123 = arith.constant 0 : i32
        %dma_wait3A_124 = tpu.memref_slice %arg2[%add3A_60, %dma_wait3A, %dma_wait3A_123] : memref<5064x2x128xi32, #tpu.memory_space<hbm>> -> memref<64x2x128xi32, #tpu.memory_space<hbm>>
        %dma_wait3A_125 = arith.constant 0 : i32
        %dma_wait3A_126 = arith.constant 0 : i32
        %dma_wait3A_127 = tpu.memref_slice %arg2[%add3A_60, %dma_wait3A_125, %dma_wait3A_126] : memref<5064x2x128xi32, #tpu.memory_space<hbm>> -> memref<64x2x128xi32, #tpu.memory_space<hbm>>
        tpu.wait_dma2 semaphore(%run_scoped3A : memref<!tpu.dma_semaphore, #tpu.memory_space<semaphore_mem>>) src(%dma_wait3A_127 : memref<64x2x128xi32, #tpu.memory_space<hbm>>) dst(%arg5 : memref<64x2x128xi32, #tpu.memory_space<vmem>>)
        tpu.yield
      }) : () -> ()
      %mul3A_61 = arith.constant 64 : i32
      %mul3A_62 = arith.muli %while3A_57, %mul3A_61 : i32
      %sub3A_63 = arith.subi %add3A_5, %mul3A_62 : i32
      %min3A_64 = arith.constant 64 : i32
      %min3A_65 = arith.minsi %sub3A_63, %min3A_64 : i32
      %dma_start3A = arith.constant 0 : i32
      %dma_start3A_66 = arith.constant 0 : i32
      %dma_start3A_67 = arith.constant 0 : i32
      %dma_start3A_68 = tpu.memref_slice %arg5[%dma_start3A, %dma_start3A_66, %dma_start3A_67] : memref<64x2x128xi32, #tpu.memory_space<vmem>> -> memref<1x1x128xi32, #tpu.memory_space<vmem>>
      %dma_start3A_69 = tpu.memref_squeeze %dma_start3A_68 : memref<1x1x128xi32, #tpu.memory_space<vmem>> -> memref<128xi32, #tpu.memory_space<vmem>>
      %dma_start3A_70 = arith.constant 0 : i32
      %dma_start3A_71 = arith.constant 0 : i32
      %dma_start3A_72 = tpu.memref_slice %arg3[%dma_start3A_70, %dma_start3A_71] : memref<20000x128xf32, #tpu.memory_space<hbm>> -> memref<20000x128xf32, #tpu.memory_space<hbm>>
      tpu.enqueue_indirect_dma source(%dma_start3A_72 : memref<20000x128xf32, #tpu.memory_space<hbm>>) target(%arg6 : memref<128x128xf32, #tpu.memory_space<vmem>>) offsets(%dma_start3A_69 : memref<128xi32, #tpu.memory_space<vmem>>) semaphore(%arg9 : memref<!tpu.dma_semaphore, #tpu.memory_space<semaphore_mem>>)
      %dma_start3A_73 = arith.constant 1 : i32
      %dma_start3A_74 = arith.constant 0 : i32
      %dma_start3A_75 = arith.constant 0 : i32
      %dma_start3A_76 = tpu.memref_slice %arg5[%dma_start3A_73, %dma_start3A_74, %dma_start3A_75] : memref<64x2x128xi32, #tpu.memory_space<vmem>> -> memref<1x1x128xi32, #tpu.memory_space<vmem>>
      %dma_start3A_77 = tpu.memref_squeeze %dma_start3A_76 : memref<1x1x128xi32, #tpu.memory_space<vmem>> -> memref<128xi32, #tpu.memory_space<vmem>>
      %dma_start3A_78 = arith.constant 0 : i32
      %dma_start3A_79 = arith.constant 0 : i32
      %dma_start3A_80 = tpu.memref_slice %arg3[%dma_start3A_78, %dma_start3A_79] : memref<20000x128xf32, #tpu.memory_space<hbm>> -> memref<20000x128xf32, #tpu.memory_space<hbm>>
      tpu.enqueue_indirect_dma source(%dma_start3A_80 : memref<20000x128xf32, #tpu.memory_space<hbm>>) target(%arg7 : memref<128x128xf32, #tpu.memory_space<vmem>>) offsets(%dma_start3A_77 : memref<128xi32, #tpu.memory_space<vmem>>) semaphore(%arg10 : memref<!tpu.dma_semaphore, #tpu.memory_space<semaphore_mem>>)
      %add3A_81 = arith.constant 1 : i32
      %add3A_82 = arith.addi %min3A_65, %add3A_81 : i32
      %jit3A_83 = arith.constant 2 : i32
      %div3A_84 = arith.divsi %add3A_82, %jit3A_83 : i32
      %sign3A_85 = arith.constant 0 : i32
      %sign3A_86 = arith.cmpi sgt, %add3A_82, %sign3A_85 : i32
      %sign3A_87 = arith.extui %sign3A_86 : i1 to i32
      %sign3A_88 = arith.constant 0 : i32
      %sign3A_89 = arith.cmpi slt, %add3A_82, %sign3A_88 : i32
      %sign3A_90 = arith.extui %sign3A_89 : i1 to i32
      %sign3A_91 = arith.subi %sign3A_87, %sign3A_90 : i32
      %sign3A_92 = arith.constant 0 : i32
      %sign3A_93 = arith.cmpi sgt, %jit3A_83, %sign3A_92 : i32
      %sign3A_94 = arith.extui %sign3A_93 : i1 to i32
      %sign3A_95 = arith.constant 0 : i32
      %sign3A_96 = arith.cmpi slt, %jit3A_83, %sign3A_95 : i32
      %sign3A_97 = arith.extui %sign3A_96 : i1 to i32
      %sign3A_98 = arith.subi %sign3A_94, %sign3A_97 : i32
      %ne3A_99 = arith.cmpi ne, %sign3A_91, %sign3A_98 : i32
      %rem3A_100 = arith.remsi %add3A_82, %jit3A_83 : i32
      %ne3A_101 = arith.constant 0 : i32
      %ne3A_102 = arith.cmpi ne, %rem3A_100, %ne3A_101 : i32
      %and3A_103 = arith.andi %ne3A_99, %ne3A_102 : i1
      %sub3A_104 = arith.constant 1 : i32
      %sub3A_105 = arith.subi %div3A_84, %sub3A_104 : i32
      %select_n3A_106 = arith.select %and3A_103, %sub3A_105, %div3A_84 : i32
      %while3A_107 = arith.constant 0 : i32
      %while3A_108 = arith.constant 0 : i32
      %while3A_109 = arith.subi %select_n3A_106, %while3A_108 : i32
      %while3A_110 = arith.addi %while3A_108, %while3A_109 : i32
      %while3A_111 = arith.constant 1 : i32
      %while3A_112 = arith.divsi %while3A_109, %while3A_111 : i32
      %while3A_113 = arith.muli %while3A_112, %while3A_111 : i32
      %while3A_114 = arith.addi %while3A_108, %while3A_113 : i32
      %while3A_115 = arith.constant 1 : i32
      scf.for %while3A_117 = %while3A_108 to %while3A_114 step %while3A_115  : i32 {
        %mul3A_118 = arith.constant 2 : i32
        %mul3A_119 = arith.muli %mul3A_118, %while3A_117 : i32
        %dma_wait3A = arith.constant 0 : i32
        %dma_wait3A_120 = arith.constant 0 : i32
        %dma_wait3A_121 = tpu.memref_slice %arg5[%mul3A_119, %dma_wait3A, %dma_wait3A_120] : memref<64x2x128xi32, #tpu.memory_space<vmem>> -> memref<1x1x128xi32, #tpu.memory_space<vmem>>
        %dma_wait3A_122 = tpu.memref_squeeze %dma_wait3A_121 : memref<1x1x128xi32, #tpu.memory_space<vmem>> -> memref<128xi32, #tpu.memory_space<vmem>>
        %dma_wait3A_123 = arith.constant 0 : i32
        %dma_wait3A_124 = arith.constant 0 : i32
        %dma_wait3A_125 = tpu.memref_slice %arg3[%dma_wait3A_123, %dma_wait3A_124] : memref<20000x128xf32, #tpu.memory_space<hbm>> -> memref<20000x128xf32, #tpu.memory_space<hbm>>
        tpu.wait_indirect_dma semaphore(%arg9 : memref<!tpu.dma_semaphore, #tpu.memory_space<semaphore_mem>>) src(%dma_wait3A_125 : memref<20000x128xf32, #tpu.memory_space<hbm>>) dst(%arg6 : memref<128x128xf32, #tpu.memory_space<vmem>>)
        %run_scoped3A = arith.constant 1 : i32
        "tpu.region"() ({
          %run_scoped3A_150 = tpu.sem_alloc : memref<!tpu.dma_semaphore, #tpu.memory_space<semaphore_mem>>
          %dma_start3A_151 = arith.constant 0 : i32
          %dma_start3A_152 = tpu.memref_slice %arg5[%mul3A_119, %run_scoped3A, %dma_start3A_151] : memref<64x2x128xi32, #tpu.memory_space<vmem>> -> memref<1x1x128xi32, #tpu.memory_space<vmem>>
          %dma_start3A_153 = tpu.memref_squeeze %dma_start3A_152 : memref<1x1x128xi32, #tpu.memory_space<vmem>> -> memref<128xi32, #tpu.memory_space<vmem>>
          %dma_start3A_154 = arith.constant 0 : i32
          %dma_start3A_155 = arith.constant 0 : i32
          %dma_start3A_156 = tpu.memref_slice %arg8[%dma_start3A_154, %dma_start3A_155] : memref<10000x128xf32, #tpu.memory_space<vmem_shared>> -> memref<10000x128xf32, #tpu.memory_space<vmem_shared>>
          tpu.enqueue_indirect_dma source(%arg6 : memref<128x128xf32, #tpu.memory_space<vmem>>) target(%dma_start3A_156 : memref<10000x128xf32, #tpu.memory_space<vmem_shared>>) offsets(%dma_start3A_153 : memref<128xi32, #tpu.memory_space<vmem>>) semaphore(%run_scoped3A_150 : memref<!tpu.dma_semaphore, #tpu.memory_space<semaphore_mem>>) {add = true}
          %dma_wait3A_157 = arith.constant 0 : i32
          %dma_wait3A_158 = tpu.memref_slice %arg5[%mul3A_119, %run_scoped3A, %dma_wait3A_157] : memref<64x2x128xi32, #tpu.memory_space<vmem>> -> memref<1x1x128xi32, #tpu.memory_space<vmem>>
          %dma_wait3A_159 = tpu.memref_squeeze %dma_wait3A_158 : memref<1x1x128xi32, #tpu.memory_space<vmem>> -> memref<128xi32, #tpu.memory_space<vmem>>
          %dma_wait3A_160 = arith.constant 0 : i32
          %dma_wait3A_161 = arith.constant 0 : i32
          %dma_wait3A_162 = tpu.memref_slice %arg8[%dma_wait3A_160, %dma_wait3A_161] : memref<10000x128xf32, #tpu.memory_space<vmem_shared>> -> memref<10000x128xf32, #tpu.memory_space<vmem_shared>>
          tpu.wait_indirect_dma semaphore(%run_scoped3A_150 : memref<!tpu.dma_semaphore, #tpu.memory_space<semaphore_mem>>) src(%arg6 : memref<128x128xf32, #tpu.memory_space<vmem>>) dst(%dma_wait3A_162 : memref<10000x128xf32, #tpu.memory_space<vmem_shared>>)
          tpu.yield
        }) : () -> ()
        %mul3A_126 = arith.constant 2 : i32
        %mul3A_127 = arith.muli %mul3A_126, %while3A_117 : i32
        %add3A_128 = arith.constant 2 : i32
        %add3A_129 = arith.addi %mul3A_127, %add3A_128 : i32
        %lt3A_130 = arith.cmpi slt, %add3A_129, %min3A_65 : i32
        %convert_element_type3A_131 = arith.extui %lt3A_130 : i1 to i32
        %cond3A_132 = arith.constant 0 : i32
        %cond3A_133 = arith.cmpi ne, %convert_element_type3A_131, %cond3A_132 : i32
        scf.if %cond3A_133 {
          %mul3A_150 = arith.constant 2 : i32
          %mul3A_151 = arith.muli %mul3A_150, %while3A_117 : i32
          %add3A_152 = arith.constant 2 : i32
          %add3A_153 = arith.addi %mul3A_151, %add3A_152 : i32
          %dma_start3A_154 = arith.constant 0 : i32
          %dma_start3A_155 = arith.constant 0 : i32
          %dma_start3A_156 = tpu.memref_slice %arg5[%add3A_153, %dma_start3A_154, %dma_start3A_155] : memref<64x2x128xi32, #tpu.memory_space<vmem>> -> memref<1x1x128xi32, #tpu.memory_space<vmem>>
          %dma_start3A_157 = tpu.memref_squeeze %dma_start3A_156 : memref<1x1x128xi32, #tpu.memory_space<vmem>> -> memref<128xi32, #tpu.memory_space<vmem>>
          %dma_start3A_158 = arith.constant 0 : i32
          %dma_start3A_159 = arith.constant 0 : i32
          %dma_start3A_160 = tpu.memref_slice %arg3[%dma_start3A_158, %dma_start3A_159] : memref<20000x128xf32, #tpu.memory_space<hbm>> -> memref<20000x128xf32, #tpu.memory_space<hbm>>
          tpu.enqueue_indirect_dma source(%dma_start3A_160 : memref<20000x128xf32, #tpu.memory_space<hbm>>) target(%arg6 : memref<128x128xf32, #tpu.memory_space<vmem>>) offsets(%dma_start3A_157 : memref<128xi32, #tpu.memory_space<vmem>>) semaphore(%arg9 : memref<!tpu.dma_semaphore, #tpu.memory_space<semaphore_mem>>)
        } else {
        }
        %mul3A_134 = arith.constant 2 : i32
        %mul3A_135 = arith.muli %mul3A_134, %while3A_117 : i32
        %add3A_136 = arith.constant 1 : i32
        %add3A_137 = arith.addi %mul3A_135, %add3A_136 : i32
        %lt3A_138 = arith.cmpi slt, %add3A_137, %min3A_65 : i32
        %convert_element_type3A_139 = arith.extui %lt3A_138 : i1 to i32
        %cond3A_140 = arith.constant 0 : i32
        %cond3A_141 = arith.cmpi ne, %convert_element_type3A_139, %cond3A_140 : i32
        scf.if %cond3A_141 {
          %mul3A_150 = arith.constant 2 : i32
          %mul3A_151 = arith.muli %mul3A_150, %while3A_117 : i32
          %add3A_152 = arith.constant 1 : i32
          %add3A_153 = arith.addi %mul3A_151, %add3A_152 : i32
          %dma_wait3A_154 = arith.constant 0 : i32
          %dma_wait3A_155 = arith.constant 0 : i32
          %dma_wait3A_156 = tpu.memref_slice %arg5[%add3A_153, %dma_wait3A_154, %dma_wait3A_155] : memref<64x2x128xi32, #tpu.memory_space<vmem>> -> memref<1x1x128xi32, #tpu.memory_space<vmem>>
          %dma_wait3A_157 = tpu.memref_squeeze %dma_wait3A_156 : memref<1x1x128xi32, #tpu.memory_space<vmem>> -> memref<128xi32, #tpu.memory_space<vmem>>
          %dma_wait3A_158 = arith.constant 0 : i32
          %dma_wait3A_159 = arith.constant 0 : i32
          %dma_wait3A_160 = tpu.memref_slice %arg3[%dma_wait3A_158, %dma_wait3A_159] : memref<20000x128xf32, #tpu.memory_space<hbm>> -> memref<20000x128xf32, #tpu.memory_space<hbm>>
          tpu.wait_indirect_dma semaphore(%arg10 : memref<!tpu.dma_semaphore, #tpu.memory_space<semaphore_mem>>) src(%dma_wait3A_160 : memref<20000x128xf32, #tpu.memory_space<hbm>>) dst(%arg7 : memref<128x128xf32, #tpu.memory_space<vmem>>)
          %run_scoped3A_161 = arith.constant 1 : i32
          "tpu.region"() ({
            %run_scoped3A_162 = tpu.sem_alloc : memref<!tpu.dma_semaphore, #tpu.memory_space<semaphore_mem>>
            %dma_start3A_163 = arith.constant 0 : i32
            %dma_start3A_164 = tpu.memref_slice %arg5[%add3A_153, %run_scoped3A_161, %dma_start3A_163] : memref<64x2x128xi32, #tpu.memory_space<vmem>> -> memref<1x1x128xi32, #tpu.memory_space<vmem>>
            %dma_start3A_165 = tpu.memref_squeeze %dma_start3A_164 : memref<1x1x128xi32, #tpu.memory_space<vmem>> -> memref<128xi32, #tpu.memory_space<vmem>>
            %dma_start3A_166 = arith.constant 0 : i32
            %dma_start3A_167 = arith.constant 0 : i32
            %dma_start3A_168 = tpu.memref_slice %arg8[%dma_start3A_166, %dma_start3A_167] : memref<10000x128xf32, #tpu.memory_space<vmem_shared>> -> memref<10000x128xf32, #tpu.memory_space<vmem_shared>>
            tpu.enqueue_indirect_dma source(%arg7 : memref<128x128xf32, #tpu.memory_space<vmem>>) target(%dma_start3A_168 : memref<10000x128xf32, #tpu.memory_space<vmem_shared>>) offsets(%dma_start3A_165 : memref<128xi32, #tpu.memory_space<vmem>>) semaphore(%run_scoped3A_162 : memref<!tpu.dma_semaphore, #tpu.memory_space<semaphore_mem>>) {add = true}
            %dma_wait3A_169 = arith.constant 0 : i32
            %dma_wait3A_170 = tpu.memref_slice %arg5[%add3A_153, %run_scoped3A_161, %dma_wait3A_169] : memref<64x2x128xi32, #tpu.memory_space<vmem>> -> memref<1x1x128xi32, #tpu.memory_space<vmem>>
            %dma_wait3A_171 = tpu.memref_squeeze %dma_wait3A_170 : memref<1x1x128xi32, #tpu.memory_space<vmem>> -> memref<128xi32, #tpu.memory_space<vmem>>
            %dma_wait3A_172 = arith.constant 0 : i32
            %dma_wait3A_173 = arith.constant 0 : i32
            %dma_wait3A_174 = tpu.memref_slice %arg8[%dma_wait3A_172, %dma_wait3A_173] : memref<10000x128xf32, #tpu.memory_space<vmem_shared>> -> memref<10000x128xf32, #tpu.memory_space<vmem_shared>>
            tpu.wait_indirect_dma semaphore(%run_scoped3A_162 : memref<!tpu.dma_semaphore, #tpu.memory_space<semaphore_mem>>) src(%arg7 : memref<128x128xf32, #tpu.memory_space<vmem>>) dst(%dma_wait3A_174 : memref<10000x128xf32, #tpu.memory_space<vmem_shared>>)
            tpu.yield
          }) : () -> ()
        } else {
        }
        %mul3A_142 = arith.constant 2 : i32
        %mul3A_143 = arith.muli %mul3A_142, %while3A_117 : i32
        %add3A_144 = arith.constant 3 : i32
        %add3A_145 = arith.addi %mul3A_143, %add3A_144 : i32
        %lt3A_146 = arith.cmpi slt, %add3A_145, %min3A_65 : i32
        %convert_element_type3A_147 = arith.extui %lt3A_146 : i1 to i32
        %cond3A_148 = arith.constant 0 : i32
        %cond3A_149 = arith.cmpi ne, %convert_element_type3A_147, %cond3A_148 : i32
        scf.if %cond3A_149 {
          %mul3A_150 = arith.constant 2 : i32
          %mul3A_151 = arith.muli %mul3A_150, %while3A_117 : i32
          %add3A_152 = arith.constant 3 : i32
          %add3A_153 = arith.addi %mul3A_151, %add3A_152 : i32
          %dma_start3A_154 = arith.constant 0 : i32
          %dma_start3A_155 = arith.constant 0 : i32
          %dma_start3A_156 = tpu.memref_slice %arg5[%add3A_153, %dma_start3A_154, %dma_start3A_155] : memref<64x2x128xi32, #tpu.memory_space<vmem>> -> memref<1x1x128xi32, #tpu.memory_space<vmem>>
          %dma_start3A_157 = tpu.memref_squeeze %dma_start3A_156 : memref<1x1x128xi32, #tpu.memory_space<vmem>> -> memref<128xi32, #tpu.memory_space<vmem>>
          %dma_start3A_158 = arith.constant 0 : i32
          %dma_start3A_159 = arith.constant 0 : i32
          %dma_start3A_160 = tpu.memref_slice %arg3[%dma_start3A_158, %dma_start3A_159] : memref<20000x128xf32, #tpu.memory_space<hbm>> -> memref<20000x128xf32, #tpu.memory_space<hbm>>
          tpu.enqueue_indirect_dma source(%dma_start3A_160 : memref<20000x128xf32, #tpu.memory_space<hbm>>) target(%arg7 : memref<128x128xf32, #tpu.memory_space<vmem>>) offsets(%dma_start3A_157 : memref<128xi32, #tpu.memory_space<vmem>>) semaphore(%arg10 : memref<!tpu.dma_semaphore, #tpu.memory_space<semaphore_mem>>)
        } else {
        }
      }
      %while3A_116 = arith.constant 1 : i32
      scf.for %while3A_117 = %while3A_114 to %while3A_110 step %while3A_116  : i32 {
        %mul3A_118 = arith.constant 2 : i32
        %mul3A_119 = arith.muli %mul3A_118, %while3A_117 : i32
        %dma_wait3A = arith.constant 0 : i32
        %dma_wait3A_120 = arith.constant 0 : i32
        %dma_wait3A_121 = tpu.memref_slice %arg5[%mul3A_119, %dma_wait3A, %dma_wait3A_120] : memref<64x2x128xi32, #tpu.memory_space<vmem>> -> memref<1x1x128xi32, #tpu.memory_space<vmem>>
        %dma_wait3A_122 = tpu.memref_squeeze %dma_wait3A_121 : memref<1x1x128xi32, #tpu.memory_space<vmem>> -> memref<128xi32, #tpu.memory_space<vmem>>
        %dma_wait3A_123 = arith.constant 0 : i32
        %dma_wait3A_124 = arith.constant 0 : i32
        %dma_wait3A_125 = tpu.memref_slice %arg3[%dma_wait3A_123, %dma_wait3A_124] : memref<20000x128xf32, #tpu.memory_space<hbm>> -> memref<20000x128xf32, #tpu.memory_space<hbm>>
        tpu.wait_indirect_dma semaphore(%arg9 : memref<!tpu.dma_semaphore, #tpu.memory_space<semaphore_mem>>) src(%dma_wait3A_125 : memref<20000x128xf32, #tpu.memory_space<hbm>>) dst(%arg6 : memref<128x128xf32, #tpu.memory_space<vmem>>)
        %run_scoped3A = arith.constant 1 : i32
        "tpu.region"() ({
          %run_scoped3A_150 = tpu.sem_alloc : memref<!tpu.dma_semaphore, #tpu.memory_space<semaphore_mem>>
          %dma_start3A_151 = arith.constant 0 : i32
          %dma_start3A_152 = tpu.memref_slice %arg5[%mul3A_119, %run_scoped3A, %dma_start3A_151] : memref<64x2x128xi32, #tpu.memory_space<vmem>> -> memref<1x1x128xi32, #tpu.memory_space<vmem>>
          %dma_start3A_153 = tpu.memref_squeeze %dma_start3A_152 : memref<1x1x128xi32, #tpu.memory_space<vmem>> -> memref<128xi32, #tpu.memory_space<vmem>>
          %dma_start3A_154 = arith.constant 0 : i32
          %dma_start3A_155 = arith.constant 0 : i32
          %dma_start3A_156 = tpu.memref_slice %arg8[%dma_start3A_154, %dma_start3A_155] : memref<10000x128xf32, #tpu.memory_space<vmem_shared>> -> memref<10000x128xf32, #tpu.memory_space<vmem_shared>>
          tpu.enqueue_indirect_dma source(%arg6 : memref<128x128xf32, #tpu.memory_space<vmem>>) target(%dma_start3A_156 : memref<10000x128xf32, #tpu.memory_space<vmem_shared>>) offsets(%dma_start3A_153 : memref<128xi32, #tpu.memory_space<vmem>>) semaphore(%run_scoped3A_150 : memref<!tpu.dma_semaphore, #tpu.memory_space<semaphore_mem>>) {add = true}
          %dma_wait3A_157 = arith.constant 0 : i32
          %dma_wait3A_158 = tpu.memref_slice %arg5[%mul3A_119, %run_scoped3A, %dma_wait3A_157] : memref<64x2x128xi32, #tpu.memory_space<vmem>> -> memref<1x1x128xi32, #tpu.memory_space<vmem>>
          %dma_wait3A_159 = tpu.memref_squeeze %dma_wait3A_158 : memref<1x1x128xi32, #tpu.memory_space<vmem>> -> memref<128xi32, #tpu.memory_space<vmem>>
          %dma_wait3A_160 = arith.constant 0 : i32
          %dma_wait3A_161 = arith.constant 0 : i32
          %dma_wait3A_162 = tpu.memref_slice %arg8[%dma_wait3A_160, %dma_wait3A_161] : memref<10000x128xf32, #tpu.memory_space<vmem_shared>> -> memref<10000x128xf32, #tpu.memory_space<vmem_shared>>
          tpu.wait_indirect_dma semaphore(%run_scoped3A_150 : memref<!tpu.dma_semaphore, #tpu.memory_space<semaphore_mem>>) src(%arg6 : memref<128x128xf32, #tpu.memory_space<vmem>>) dst(%dma_wait3A_162 : memref<10000x128xf32, #tpu.memory_space<vmem_shared>>)
          tpu.yield
        }) : () -> ()
        %mul3A_126 = arith.constant 2 : i32
        %mul3A_127 = arith.muli %mul3A_126, %while3A_117 : i32
        %add3A_128 = arith.constant 2 : i32
        %add3A_129 = arith.addi %mul3A_127, %add3A_128 : i32
        %lt3A_130 = arith.cmpi slt, %add3A_129, %min3A_65 : i32
        %convert_element_type3A_131 = arith.extui %lt3A_130 : i1 to i32
        %cond3A_132 = arith.constant 0 : i32
        %cond3A_133 = arith.cmpi ne, %convert_element_type3A_131, %cond3A_132 : i32
        scf.if %cond3A_133 {
          %mul3A_150 = arith.constant 2 : i32
          %mul3A_151 = arith.muli %mul3A_150, %while3A_117 : i32
          %add3A_152 = arith.constant 2 : i32
          %add3A_153 = arith.addi %mul3A_151, %add3A_152 : i32
          %dma_start3A_154 = arith.constant 0 : i32
          %dma_start3A_155 = arith.constant 0 : i32
          %dma_start3A_156 = tpu.memref_slice %arg5[%add3A_153, %dma_start3A_154, %dma_start3A_155] : memref<64x2x128xi32, #tpu.memory_space<vmem>> -> memref<1x1x128xi32, #tpu.memory_space<vmem>>
          %dma_start3A_157 = tpu.memref_squeeze %dma_start3A_156 : memref<1x1x128xi32, #tpu.memory_space<vmem>> -> memref<128xi32, #tpu.memory_space<vmem>>
          %dma_start3A_158 = arith.constant 0 : i32
          %dma_start3A_159 = arith.constant 0 : i32
          %dma_start3A_160 = tpu.memref_slice %arg3[%dma_start3A_158, %dma_start3A_159] : memref<20000x128xf32, #tpu.memory_space<hbm>> -> memref<20000x128xf32, #tpu.memory_space<hbm>>
          tpu.enqueue_indirect_dma source(%dma_start3A_160 : memref<20000x128xf32, #tpu.memory_space<hbm>>) target(%arg6 : memref<128x128xf32, #tpu.memory_space<vmem>>) offsets(%dma_start3A_157 : memref<128xi32, #tpu.memory_space<vmem>>) semaphore(%arg9 : memref<!tpu.dma_semaphore, #tpu.memory_space<semaphore_mem>>)
        } else {
        }
        %mul3A_134 = arith.constant 2 : i32
        %mul3A_135 = arith.muli %mul3A_134, %while3A_117 : i32
        %add3A_136 = arith.constant 1 : i32
        %add3A_137 = arith.addi %mul3A_135, %add3A_136 : i32
        %lt3A_138 = arith.cmpi slt, %add3A_137, %min3A_65 : i32
        %convert_element_type3A_139 = arith.extui %lt3A_138 : i1 to i32
        %cond3A_140 = arith.constant 0 : i32
        %cond3A_141 = arith.cmpi ne, %convert_element_type3A_139, %cond3A_140 : i32
        scf.if %cond3A_141 {
          %mul3A_150 = arith.constant 2 : i32
          %mul3A_151 = arith.muli %mul3A_150, %while3A_117 : i32
          %add3A_152 = arith.constant 1 : i32
          %add3A_153 = arith.addi %mul3A_151, %add3A_152 : i32
          %dma_wait3A_154 = arith.constant 0 : i32
          %dma_wait3A_155 = arith.constant 0 : i32
          %dma_wait3A_156 = tpu.memref_slice %arg5[%add3A_153, %dma_wait3A_154, %dma_wait3A_155] : memref<64x2x128xi32, #tpu.memory_space<vmem>> -> memref<1x1x128xi32, #tpu.memory_space<vmem>>
          %dma_wait3A_157 = tpu.memref_squeeze %dma_wait3A_156 : memref<1x1x128xi32, #tpu.memory_space<vmem>> -> memref<128xi32, #tpu.memory_space<vmem>>
          %dma_wait3A_158 = arith.constant 0 : i32
          %dma_wait3A_159 = arith.constant 0 : i32
          %dma_wait3A_160 = tpu.memref_slice %arg3[%dma_wait3A_158, %dma_wait3A_159] : memref<20000x128xf32, #tpu.memory_space<hbm>> -> memref<20000x128xf32, #tpu.memory_space<hbm>>
          tpu.wait_indirect_dma semaphore(%arg10 : memref<!tpu.dma_semaphore, #tpu.memory_space<semaphore_mem>>) src(%dma_wait3A_160 : memref<20000x128xf32, #tpu.memory_space<hbm>>) dst(%arg7 : memref<128x128xf32, #tpu.memory_space<vmem>>)
          %run_scoped3A_161 = arith.constant 1 : i32
          "tpu.region"() ({
            %run_scoped3A_162 = tpu.sem_alloc : memref<!tpu.dma_semaphore, #tpu.memory_space<semaphore_mem>>
            %dma_start3A_163 = arith.constant 0 : i32
            %dma_start3A_164 = tpu.memref_slice %arg5[%add3A_153, %run_scoped3A_161, %dma_start3A_163] : memref<64x2x128xi32, #tpu.memory_space<vmem>> -> memref<1x1x128xi32, #tpu.memory_space<vmem>>
            %dma_start3A_165 = tpu.memref_squeeze %dma_start3A_164 : memref<1x1x128xi32, #tpu.memory_space<vmem>> -> memref<128xi32, #tpu.memory_space<vmem>>
            %dma_start3A_166 = arith.constant 0 : i32
            %dma_start3A_167 = arith.constant 0 : i32
            %dma_start3A_168 = tpu.memref_slice %arg8[%dma_start3A_166, %dma_start3A_167] : memref<10000x128xf32, #tpu.memory_space<vmem_shared>> -> memref<10000x128xf32, #tpu.memory_space<vmem_shared>>
            tpu.enqueue_indirect_dma source(%arg7 : memref<128x128xf32, #tpu.memory_space<vmem>>) target(%dma_start3A_168 : memref<10000x128xf32, #tpu.memory_space<vmem_shared>>) offsets(%dma_start3A_165 : memref<128xi32, #tpu.memory_space<vmem>>) semaphore(%run_scoped3A_162 : memref<!tpu.dma_semaphore, #tpu.memory_space<semaphore_mem>>) {add = true}
            %dma_wait3A_169 = arith.constant 0 : i32
            %dma_wait3A_170 = tpu.memref_slice %arg5[%add3A_153, %run_scoped3A_161, %dma_wait3A_169] : memref<64x2x128xi32, #tpu.memory_space<vmem>> -> memref<1x1x128xi32, #tpu.memory_space<vmem>>
            %dma_wait3A_171 = tpu.memref_squeeze %dma_wait3A_170 : memref<1x1x128xi32, #tpu.memory_space<vmem>> -> memref<128xi32, #tpu.memory_space<vmem>>
            %dma_wait3A_172 = arith.constant 0 : i32
            %dma_wait3A_173 = arith.constant 0 : i32
            %dma_wait3A_174 = tpu.memref_slice %arg8[%dma_wait3A_172, %dma_wait3A_173] : memref<10000x128xf32, #tpu.memory_space<vmem_shared>> -> memref<10000x128xf32, #tpu.memory_space<vmem_shared>>
            tpu.wait_indirect_dma semaphore(%run_scoped3A_162 : memref<!tpu.dma_semaphore, #tpu.memory_space<semaphore_mem>>) src(%arg7 : memref<128x128xf32, #tpu.memory_space<vmem>>) dst(%dma_wait3A_174 : memref<10000x128xf32, #tpu.memory_space<vmem_shared>>)
            tpu.yield
          }) : () -> ()
        } else {
        }
        %mul3A_142 = arith.constant 2 : i32
        %mul3A_143 = arith.muli %mul3A_142, %while3A_117 : i32
        %add3A_144 = arith.constant 3 : i32
        %add3A_145 = arith.addi %mul3A_143, %add3A_144 : i32
        %lt3A_146 = arith.cmpi slt, %add3A_145, %min3A_65 : i32
        %convert_element_type3A_147 = arith.extui %lt3A_146 : i1 to i32
        %cond3A_148 = arith.constant 0 : i32
        %cond3A_149 = arith.cmpi ne, %convert_element_type3A_147, %cond3A_148 : i32
        scf.if %cond3A_149 {
          %mul3A_150 = arith.constant 2 : i32
          %mul3A_151 = arith.muli %mul3A_150, %while3A_117 : i32
          %add3A_152 = arith.constant 3 : i32
          %add3A_153 = arith.addi %mul3A_151, %add3A_152 : i32
          %dma_start3A_154 = arith.constant 0 : i32
          %dma_start3A_155 = arith.constant 0 : i32
          %dma_start3A_156 = tpu.memref_slice %arg5[%add3A_153, %dma_start3A_154, %dma_start3A_155] : memref<64x2x128xi32, #tpu.memory_space<vmem>> -> memref<1x1x128xi32, #tpu.memory_space<vmem>>
          %dma_start3A_157 = tpu.memref_squeeze %dma_start3A_156 : memref<1x1x128xi32, #tpu.memory_space<vmem>> -> memref<128xi32, #tpu.memory_space<vmem>>
          %dma_start3A_158 = arith.constant 0 : i32
          %dma_start3A_159 = arith.constant 0 : i32
          %dma_start3A_160 = tpu.memref_slice %arg3[%dma_start3A_158, %dma_start3A_159] : memref<20000x128xf32, #tpu.memory_space<hbm>> -> memref<20000x128xf32, #tpu.memory_space<hbm>>
          tpu.enqueue_indirect_dma source(%dma_start3A_160 : memref<20000x128xf32, #tpu.memory_space<hbm>>) target(%arg7 : memref<128x128xf32, #tpu.memory_space<vmem>>) offsets(%dma_start3A_157 : memref<128xi32, #tpu.memory_space<vmem>>) semaphore(%arg10 : memref<!tpu.dma_semaphore, #tpu.memory_space<semaphore_mem>>)
        } else {
        }
      }
    }
    %while3A_43 = arith.constant 1 : i32
    scf.for %while3A_57 = %while3A_41 to %while3A_37 step %while3A_43  : i32 {
      %mul3A_58 = arith.constant 64 : i32
      %mul3A_59 = arith.muli %while3A_57, %mul3A_58 : i32
      %add3A_60 = arith.addi %add3A_12, %mul3A_59 : i32
      "tpu.region"() ({
        %run_scoped3A = tpu.sem_alloc : memref<!tpu.dma_semaphore, #tpu.memory_space<semaphore_mem>>
        %dma_start3A_117 = arith.constant 0 : i32
        %dma_start3A_118 = arith.constant 0 : i32
        %dma_start3A_119 = tpu.memref_slice %arg2[%add3A_60, %dma_start3A_117, %dma_start3A_118] : memref<5064x2x128xi32, #tpu.memory_space<hbm>> -> memref<64x2x128xi32, #tpu.memory_space<hbm>>
        %dma_start3A_120 = arith.constant 0 : i32
        %dma_start3A_121 = arith.constant 0 : i32
        %dma_start3A_122 = tpu.memref_slice %arg2[%add3A_60, %dma_start3A_120, %dma_start3A_121] : memref<5064x2x128xi32, #tpu.memory_space<hbm>> -> memref<64x2x128xi32, #tpu.memory_space<hbm>>
        tpu.enqueue_dma source(%dma_start3A_122 : memref<64x2x128xi32, #tpu.memory_space<hbm>>) target(%arg5 : memref<64x2x128xi32, #tpu.memory_space<vmem>>) target_semaphore(%run_scoped3A : memref<!tpu.dma_semaphore, #tpu.memory_space<semaphore_mem>>)
        %dma_wait3A = arith.constant 0 : i32
        %dma_wait3A_123 = arith.constant 0 : i32
        %dma_wait3A_124 = tpu.memref_slice %arg2[%add3A_60, %dma_wait3A, %dma_wait3A_123] : memref<5064x2x128xi32, #tpu.memory_space<hbm>> -> memref<64x2x128xi32, #tpu.memory_space<hbm>>
        %dma_wait3A_125 = arith.constant 0 : i32
        %dma_wait3A_126 = arith.constant 0 : i32
        %dma_wait3A_127 = tpu.memref_slice %arg2[%add3A_60, %dma_wait3A_125, %dma_wait3A_126] : memref<5064x2x128xi32, #tpu.memory_space<hbm>> -> memref<64x2x128xi32, #tpu.memory_space<hbm>>
        tpu.wait_dma2 semaphore(%run_scoped3A : memref<!tpu.dma_semaphore, #tpu.memory_space<semaphore_mem>>) src(%dma_wait3A_127 : memref<64x2x128xi32, #tpu.memory_space<hbm>>) dst(%arg5 : memref<64x2x128xi32, #tpu.memory_space<vmem>>)
        tpu.yield
      }) : () -> ()
      %mul3A_61 = arith.constant 64 : i32
      %mul3A_62 = arith.muli %while3A_57, %mul3A_61 : i32
      %sub3A_63 = arith.subi %add3A_5, %mul3A_62 : i32
      %min3A_64 = arith.constant 64 : i32
      %min3A_65 = arith.minsi %sub3A_63, %min3A_64 : i32
      %dma_start3A = arith.constant 0 : i32
      %dma_start3A_66 = arith.constant 0 : i32
      %dma_start3A_67 = arith.constant 0 : i32
      %dma_start3A_68 = tpu.memref_slice %arg5[%dma_start3A, %dma_start3A_66, %dma_start3A_67] : memref<64x2x128xi32, #tpu.memory_space<vmem>> -> memref<1x1x128xi32, #tpu.memory_space<vmem>>
      %dma_start3A_69 = tpu.memref_squeeze %dma_start3A_68 : memref<1x1x128xi32, #tpu.memory_space<vmem>> -> memref<128xi32, #tpu.memory_space<vmem>>
      %dma_start3A_70 = arith.constant 0 : i32
      %dma_start3A_71 = arith.constant 0 : i32
      %dma_start3A_72 = tpu.memref_slice %arg3[%dma_start3A_70, %dma_start3A_71] : memref<20000x128xf32, #tpu.memory_space<hbm>> -> memref<20000x128xf32, #tpu.memory_space<hbm>>
      tpu.enqueue_indirect_dma source(%dma_start3A_72 : memref<20000x128xf32, #tpu.memory_space<hbm>>) target(%arg6 : memref<128x128xf32, #tpu.memory_space<vmem>>) offsets(%dma_start3A_69 : memref<128xi32, #tpu.memory_space<vmem>>) semaphore(%arg9 : memref<!tpu.dma_semaphore, #tpu.memory_space<semaphore_mem>>)
      %dma_start3A_73 = arith.constant 1 : i32
      %dma_start3A_74 = arith.constant 0 : i32
      %dma_start3A_75 = arith.constant 0 : i32
      %dma_start3A_76 = tpu.memref_slice %arg5[%dma_start3A_73, %dma_start3A_74, %dma_start3A_75] : memref<64x2x128xi32, #tpu.memory_space<vmem>> -> memref<1x1x128xi32, #tpu.memory_space<vmem>>
      %dma_start3A_77 = tpu.memref_squeeze %dma_start3A_76 : memref<1x1x128xi32, #tpu.memory_space<vmem>> -> memref<128xi32, #tpu.memory_space<vmem>>
      %dma_start3A_78 = arith.constant 0 : i32
      %dma_start3A_79 = arith.constant 0 : i32
      %dma_start3A_80 = tpu.memref_slice %arg3[%dma_start3A_78, %dma_start3A_79] : memref<20000x128xf32, #tpu.memory_space<hbm>> -> memref<20000x128xf32, #tpu.memory_space<hbm>>
      tpu.enqueue_indirect_dma source(%dma_start3A_80 : memref<20000x128xf32, #tpu.memory_space<hbm>>) target(%arg7 : memref<128x128xf32, #tpu.memory_space<vmem>>) offsets(%dma_start3A_77 : memref<128xi32, #tpu.memory_space<vmem>>) semaphore(%arg10 : memref<!tpu.dma_semaphore, #tpu.memory_space<semaphore_mem>>)
      %add3A_81 = arith.constant 1 : i32
      %add3A_82 = arith.addi %min3A_65, %add3A_81 : i32
      %jit3A_83 = arith.constant 2 : i32
      %div3A_84 = arith.divsi %add3A_82, %jit3A_83 : i32
      %sign3A_85 = arith.constant 0 : i32
      %sign3A_86 = arith.cmpi sgt, %add3A_82, %sign3A_85 : i32
      %sign3A_87 = arith.extui %sign3A_86 : i1 to i32
      %sign3A_88 = arith.constant 0 : i32
      %sign3A_89 = arith.cmpi slt, %add3A_82, %sign3A_88 : i32
      %sign3A_90 = arith.extui %sign3A_89 : i1 to i32
      %sign3A_91 = arith.subi %sign3A_87, %sign3A_90 : i32
      %sign3A_92 = arith.constant 0 : i32
      %sign3A_93 = arith.cmpi sgt, %jit3A_83, %sign3A_92 : i32
      %sign3A_94 = arith.extui %sign3A_93 : i1 to i32
      %sign3A_95 = arith.constant 0 : i32
      %sign3A_96 = arith.cmpi slt, %jit3A_83, %sign3A_95 : i32
      %sign3A_97 = arith.extui %sign3A_96 : i1 to i32
      %sign3A_98 = arith.subi %sign3A_94, %sign3A_97 : i32
      %ne3A_99 = arith.cmpi ne, %sign3A_91, %sign3A_98 : i32
      %rem3A_100 = arith.remsi %add3A_82, %jit3A_83 : i32
      %ne3A_101 = arith.constant 0 : i32
      %ne3A_102 = arith.cmpi ne, %rem3A_100, %ne3A_101 : i32
      %and3A_103 = arith.andi %ne3A_99, %ne3A_102 : i1
      %sub3A_104 = arith.constant 1 : i32
      %sub3A_105 = arith.subi %div3A_84, %sub3A_104 : i32
      %select_n3A_106 = arith.select %and3A_103, %sub3A_105, %div3A_84 : i32
      %while3A_107 = arith.constant 0 : i32
      %while3A_108 = arith.constant 0 : i32
      %while3A_109 = arith.subi %select_n3A_106, %while3A_108 : i32
      %while3A_110 = arith.addi %while3A_108, %while3A_109 : i32
      %while3A_111 = arith.constant 1 : i32
      %while3A_112 = arith.divsi %while3A_109, %while3A_111 : i32
      %while3A_113 = arith.muli %while3A_112, %while3A_111 : i32
      %while3A_114 = arith.addi %while3A_108, %while3A_113 : i32
      %while3A_115 = arith.constant 1 : i32
      scf.for %while3A_117 = %while3A_108 to %while3A_114 step %while3A_115  : i32 {
        %mul3A_118 = arith.constant 2 : i32
        %mul3A_119 = arith.muli %mul3A_118, %while3A_117 : i32
        %dma_wait3A = arith.constant 0 : i32
        %dma_wait3A_120 = arith.constant 0 : i32
        %dma_wait3A_121 = tpu.memref_slice %arg5[%mul3A_119, %dma_wait3A, %dma_wait3A_120] : memref<64x2x128xi32, #tpu.memory_space<vmem>> -> memref<1x1x128xi32, #tpu.memory_space<vmem>>
        %dma_wait3A_122 = tpu.memref_squeeze %dma_wait3A_121 : memref<1x1x128xi32, #tpu.memory_space<vmem>> -> memref<128xi32, #tpu.memory_space<vmem>>
        %dma_wait3A_123 = arith.constant 0 : i32
        %dma_wait3A_124 = arith.constant 0 : i32
        %dma_wait3A_125 = tpu.memref_slice %arg3[%dma_wait3A_123, %dma_wait3A_124] : memref<20000x128xf32, #tpu.memory_space<hbm>> -> memref<20000x128xf32, #tpu.memory_space<hbm>>
        tpu.wait_indirect_dma semaphore(%arg9 : memref<!tpu.dma_semaphore, #tpu.memory_space<semaphore_mem>>) src(%dma_wait3A_125 : memref<20000x128xf32, #tpu.memory_space<hbm>>) dst(%arg6 : memref<128x128xf32, #tpu.memory_space<vmem>>)
        %run_scoped3A = arith.constant 1 : i32
        "tpu.region"() ({
          %run_scoped3A_150 = tpu.sem_alloc : memref<!tpu.dma_semaphore, #tpu.memory_space<semaphore_mem>>
          %dma_start3A_151 = arith.constant 0 : i32
          %dma_start3A_152 = tpu.memref_slice %arg5[%mul3A_119, %run_scoped3A, %dma_start3A_151] : memref<64x2x128xi32, #tpu.memory_space<vmem>> -> memref<1x1x128xi32, #tpu.memory_space<vmem>>
          %dma_start3A_153 = tpu.memref_squeeze %dma_start3A_152 : memref<1x1x128xi32, #tpu.memory_space<vmem>> -> memref<128xi32, #tpu.memory_space<vmem>>
          %dma_start3A_154 = arith.constant 0 : i32
          %dma_start3A_155 = arith.constant 0 : i32
          %dma_start3A_156 = tpu.memref_slice %arg8[%dma_start3A_154, %dma_start3A_155] : memref<10000x128xf32, #tpu.memory_space<vmem_shared>> -> memref<10000x128xf32, #tpu.memory_space<vmem_shared>>
          tpu.enqueue_indirect_dma source(%arg6 : memref<128x128xf32, #tpu.memory_space<vmem>>) target(%dma_start3A_156 : memref<10000x128xf32, #tpu.memory_space<vmem_shared>>) offsets(%dma_start3A_153 : memref<128xi32, #tpu.memory_space<vmem>>) semaphore(%run_scoped3A_150 : memref<!tpu.dma_semaphore, #tpu.memory_space<semaphore_mem>>) {add = true}
          %dma_wait3A_157 = arith.constant 0 : i32
          %dma_wait3A_158 = tpu.memref_slice %arg5[%mul3A_119, %run_scoped3A, %dma_wait3A_157] : memref<64x2x128xi32, #tpu.memory_space<vmem>> -> memref<1x1x128xi32, #tpu.memory_space<vmem>>
          %dma_wait3A_159 = tpu.memref_squeeze %dma_wait3A_158 : memref<1x1x128xi32, #tpu.memory_space<vmem>> -> memref<128xi32, #tpu.memory_space<vmem>>
          %dma_wait3A_160 = arith.constant 0 : i32
          %dma_wait3A_161 = arith.constant 0 : i32
          %dma_wait3A_162 = tpu.memref_slice %arg8[%dma_wait3A_160, %dma_wait3A_161] : memref<10000x128xf32, #tpu.memory_space<vmem_shared>> -> memref<10000x128xf32, #tpu.memory_space<vmem_shared>>
          tpu.wait_indirect_dma semaphore(%run_scoped3A_150 : memref<!tpu.dma_semaphore, #tpu.memory_space<semaphore_mem>>) src(%arg6 : memref<128x128xf32, #tpu.memory_space<vmem>>) dst(%dma_wait3A_162 : memref<10000x128xf32, #tpu.memory_space<vmem_shared>>)
          tpu.yield
        }) : () -> ()
        %mul3A_126 = arith.constant 2 : i32
        %mul3A_127 = arith.muli %mul3A_126, %while3A_117 : i32
        %add3A_128 = arith.constant 2 : i32
        %add3A_129 = arith.addi %mul3A_127, %add3A_128 : i32
        %lt3A_130 = arith.cmpi slt, %add3A_129, %min3A_65 : i32
        %convert_element_type3A_131 = arith.extui %lt3A_130 : i1 to i32
        %cond3A_132 = arith.constant 0 : i32
        %cond3A_133 = arith.cmpi ne, %convert_element_type3A_131, %cond3A_132 : i32
        scf.if %cond3A_133 {
          %mul3A_150 = arith.constant 2 : i32
          %mul3A_151 = arith.muli %mul3A_150, %while3A_117 : i32
          %add3A_152 = arith.constant 2 : i32
          %add3A_153 = arith.addi %mul3A_151, %add3A_152 : i32
          %dma_start3A_154 = arith.constant 0 : i32
          %dma_start3A_155 = arith.constant 0 : i32
          %dma_start3A_156 = tpu.memref_slice %arg5[%add3A_153, %dma_start3A_154, %dma_start3A_155] : memref<64x2x128xi32, #tpu.memory_space<vmem>> -> memref<1x1x128xi32, #tpu.memory_space<vmem>>
          %dma_start3A_157 = tpu.memref_squeeze %dma_start3A_156 : memref<1x1x128xi32, #tpu.memory_space<vmem>> -> memref<128xi32, #tpu.memory_space<vmem>>
          %dma_start3A_158 = arith.constant 0 : i32
          %dma_start3A_159 = arith.constant 0 : i32
          %dma_start3A_160 = tpu.memref_slice %arg3[%dma_start3A_158, %dma_start3A_159] : memref<20000x128xf32, #tpu.memory_space<hbm>> -> memref<20000x128xf32, #tpu.memory_space<hbm>>
          tpu.enqueue_indirect_dma source(%dma_start3A_160 : memref<20000x128xf32, #tpu.memory_space<hbm>>) target(%arg6 : memref<128x128xf32, #tpu.memory_space<vmem>>) offsets(%dma_start3A_157 : memref<128xi32, #tpu.memory_space<vmem>>) semaphore(%arg9 : memref<!tpu.dma_semaphore, #tpu.memory_space<semaphore_mem>>)
        } else {
        }
        %mul3A_134 = arith.constant 2 : i32
        %mul3A_135 = arith.muli %mul3A_134, %while3A_117 : i32
        %add3A_136 = arith.constant 1 : i32
        %add3A_137 = arith.addi %mul3A_135, %add3A_136 : i32
        %lt3A_138 = arith.cmpi slt, %add3A_137, %min3A_65 : i32
        %convert_element_type3A_139 = arith.extui %lt3A_138 : i1 to i32
        %cond3A_140 = arith.constant 0 : i32
        %cond3A_141 = arith.cmpi ne, %convert_element_type3A_139, %cond3A_140 : i32
        scf.if %cond3A_141 {
          %mul3A_150 = arith.constant 2 : i32
          %mul3A_151 = arith.muli %mul3A_150, %while3A_117 : i32
          %add3A_152 = arith.constant 1 : i32
          %add3A_153 = arith.addi %mul3A_151, %add3A_152 : i32
          %dma_wait3A_154 = arith.constant 0 : i32
          %dma_wait3A_155 = arith.constant 0 : i32
          %dma_wait3A_156 = tpu.memref_slice %arg5[%add3A_153, %dma_wait3A_154, %dma_wait3A_155] : memref<64x2x128xi32, #tpu.memory_space<vmem>> -> memref<1x1x128xi32, #tpu.memory_space<vmem>>
          %dma_wait3A_157 = tpu.memref_squeeze %dma_wait3A_156 : memref<1x1x128xi32, #tpu.memory_space<vmem>> -> memref<128xi32, #tpu.memory_space<vmem>>
          %dma_wait3A_158 = arith.constant 0 : i32
          %dma_wait3A_159 = arith.constant 0 : i32
          %dma_wait3A_160 = tpu.memref_slice %arg3[%dma_wait3A_158, %dma_wait3A_159] : memref<20000x128xf32, #tpu.memory_space<hbm>> -> memref<20000x128xf32, #tpu.memory_space<hbm>>
          tpu.wait_indirect_dma semaphore(%arg10 : memref<!tpu.dma_semaphore, #tpu.memory_space<semaphore_mem>>) src(%dma_wait3A_160 : memref<20000x128xf32, #tpu.memory_space<hbm>>) dst(%arg7 : memref<128x128xf32, #tpu.memory_space<vmem>>)
          %run_scoped3A_161 = arith.constant 1 : i32
          "tpu.region"() ({
            %run_scoped3A_162 = tpu.sem_alloc : memref<!tpu.dma_semaphore, #tpu.memory_space<semaphore_mem>>
            %dma_start3A_163 = arith.constant 0 : i32
            %dma_start3A_164 = tpu.memref_slice %arg5[%add3A_153, %run_scoped3A_161, %dma_start3A_163] : memref<64x2x128xi32, #tpu.memory_space<vmem>> -> memref<1x1x128xi32, #tpu.memory_space<vmem>>
            %dma_start3A_165 = tpu.memref_squeeze %dma_start3A_164 : memref<1x1x128xi32, #tpu.memory_space<vmem>> -> memref<128xi32, #tpu.memory_space<vmem>>
            %dma_start3A_166 = arith.constant 0 : i32
            %dma_start3A_167 = arith.constant 0 : i32
            %dma_start3A_168 = tpu.memref_slice %arg8[%dma_start3A_166, %dma_start3A_167] : memref<10000x128xf32, #tpu.memory_space<vmem_shared>> -> memref<10000x128xf32, #tpu.memory_space<vmem_shared>>
            tpu.enqueue_indirect_dma source(%arg7 : memref<128x128xf32, #tpu.memory_space<vmem>>) target(%dma_start3A_168 : memref<10000x128xf32, #tpu.memory_space<vmem_shared>>) offsets(%dma_start3A_165 : memref<128xi32, #tpu.memory_space<vmem>>) semaphore(%run_scoped3A_162 : memref<!tpu.dma_semaphore, #tpu.memory_space<semaphore_mem>>) {add = true}
            %dma_wait3A_169 = arith.constant 0 : i32
            %dma_wait3A_170 = tpu.memref_slice %arg5[%add3A_153, %run_scoped3A_161, %dma_wait3A_169] : memref<64x2x128xi32, #tpu.memory_space<vmem>> -> memref<1x1x128xi32, #tpu.memory_space<vmem>>
            %dma_wait3A_171 = tpu.memref_squeeze %dma_wait3A_170 : memref<1x1x128xi32, #tpu.memory_space<vmem>> -> memref<128xi32, #tpu.memory_space<vmem>>
            %dma_wait3A_172 = arith.constant 0 : i32
            %dma_wait3A_173 = arith.constant 0 : i32
            %dma_wait3A_174 = tpu.memref_slice %arg8[%dma_wait3A_172, %dma_wait3A_173] : memref<10000x128xf32, #tpu.memory_space<vmem_shared>> -> memref<10000x128xf32, #tpu.memory_space<vmem_shared>>
            tpu.wait_indirect_dma semaphore(%run_scoped3A_162 : memref<!tpu.dma_semaphore, #tpu.memory_space<semaphore_mem>>) src(%arg7 : memref<128x128xf32, #tpu.memory_space<vmem>>) dst(%dma_wait3A_174 : memref<10000x128xf32, #tpu.memory_space<vmem_shared>>)
            tpu.yield
          }) : () -> ()
        } else {
        }
        %mul3A_142 = arith.constant 2 : i32
        %mul3A_143 = arith.muli %mul3A_142, %while3A_117 : i32
        %add3A_144 = arith.constant 3 : i32
        %add3A_145 = arith.addi %mul3A_143, %add3A_144 : i32
        %lt3A_146 = arith.cmpi slt, %add3A_145, %min3A_65 : i32
        %convert_element_type3A_147 = arith.extui %lt3A_146 : i1 to i32
        %cond3A_148 = arith.constant 0 : i32
        %cond3A_149 = arith.cmpi ne, %convert_element_type3A_147, %cond3A_148 : i32
        scf.if %cond3A_149 {
          %mul3A_150 = arith.constant 2 : i32
          %mul3A_151 = arith.muli %mul3A_150, %while3A_117 : i32
          %add3A_152 = arith.constant 3 : i32
          %add3A_153 = arith.addi %mul3A_151, %add3A_152 : i32
          %dma_start3A_154 = arith.constant 0 : i32
          %dma_start3A_155 = arith.constant 0 : i32
          %dma_start3A_156 = tpu.memref_slice %arg5[%add3A_153, %dma_start3A_154, %dma_start3A_155] : memref<64x2x128xi32, #tpu.memory_space<vmem>> -> memref<1x1x128xi32, #tpu.memory_space<vmem>>
          %dma_start3A_157 = tpu.memref_squeeze %dma_start3A_156 : memref<1x1x128xi32, #tpu.memory_space<vmem>> -> memref<128xi32, #tpu.memory_space<vmem>>
          %dma_start3A_158 = arith.constant 0 : i32
          %dma_start3A_159 = arith.constant 0 : i32
          %dma_start3A_160 = tpu.memref_slice %arg3[%dma_start3A_158, %dma_start3A_159] : memref<20000x128xf32, #tpu.memory_space<hbm>> -> memref<20000x128xf32, #tpu.memory_space<hbm>>
          tpu.enqueue_indirect_dma source(%dma_start3A_160 : memref<20000x128xf32, #tpu.memory_space<hbm>>) target(%arg7 : memref<128x128xf32, #tpu.memory_space<vmem>>) offsets(%dma_start3A_157 : memref<128xi32, #tpu.memory_space<vmem>>) semaphore(%arg10 : memref<!tpu.dma_semaphore, #tpu.memory_space<semaphore_mem>>)
        } else {
        }
      }
      %while3A_116 = arith.constant 1 : i32
      scf.for %while3A_117 = %while3A_114 to %while3A_110 step %while3A_116  : i32 {
        %mul3A_118 = arith.constant 2 : i32
        %mul3A_119 = arith.muli %mul3A_118, %while3A_117 : i32
        %dma_wait3A = arith.constant 0 : i32
        %dma_wait3A_120 = arith.constant 0 : i32
        %dma_wait3A_121 = tpu.memref_slice %arg5[%mul3A_119, %dma_wait3A, %dma_wait3A_120] : memref<64x2x128xi32, #tpu.memory_space<vmem>> -> memref<1x1x128xi32, #tpu.memory_space<vmem>>
        %dma_wait3A_122 = tpu.memref_squeeze %dma_wait3A_121 : memref<1x1x128xi32, #tpu.memory_space<vmem>> -> memref<128xi32, #tpu.memory_space<vmem>>
        %dma_wait3A_123 = arith.constant 0 : i32
        %dma_wait3A_124 = arith.constant 0 : i32
        %dma_wait3A_125 = tpu.memref_slice %arg3[%dma_wait3A_123, %dma_wait3A_124] : memref<20000x128xf32, #tpu.memory_space<hbm>> -> memref<20000x128xf32, #tpu.memory_space<hbm>>
        tpu.wait_indirect_dma semaphore(%arg9 : memref<!tpu.dma_semaphore, #tpu.memory_space<semaphore_mem>>) src(%dma_wait3A_125 : memref<20000x128xf32, #tpu.memory_space<hbm>>) dst(%arg6 : memref<128x128xf32, #tpu.memory_space<vmem>>)
        %run_scoped3A = arith.constant 1 : i32
        "tpu.region"() ({
          %run_scoped3A_150 = tpu.sem_alloc : memref<!tpu.dma_semaphore, #tpu.memory_space<semaphore_mem>>
          %dma_start3A_151 = arith.constant 0 : i32
          %dma_start3A_152 = tpu.memref_slice %arg5[%mul3A_119, %run_scoped3A, %dma_start3A_151] : memref<64x2x128xi32, #tpu.memory_space<vmem>> -> memref<1x1x128xi32, #tpu.memory_space<vmem>>
          %dma_start3A_153 = tpu.memref_squeeze %dma_start3A_152 : memref<1x1x128xi32, #tpu.memory_space<vmem>> -> memref<128xi32, #tpu.memory_space<vmem>>
          %dma_start3A_154 = arith.constant 0 : i32
          %dma_start3A_155 = arith.constant 0 : i32
          %dma_start3A_156 = tpu.memref_slice %arg8[%dma_start3A_154, %dma_start3A_155] : memref<10000x128xf32, #tpu.memory_space<vmem_shared>> -> memref<10000x128xf32, #tpu.memory_space<vmem_shared>>
          tpu.enqueue_indirect_dma source(%arg6 : memref<128x128xf32, #tpu.memory_space<vmem>>) target(%dma_start3A_156 : memref<10000x128xf32, #tpu.memory_space<vmem_shared>>) offsets(%dma_start3A_153 : memref<128xi32, #tpu.memory_space<vmem>>) semaphore(%run_scoped3A_150 : memref<!tpu.dma_semaphore, #tpu.memory_space<semaphore_mem>>) {add = true}
          %dma_wait3A_157 = arith.constant 0 : i32
          %dma_wait3A_158 = tpu.memref_slice %arg5[%mul3A_119, %run_scoped3A, %dma_wait3A_157] : memref<64x2x128xi32, #tpu.memory_space<vmem>> -> memref<1x1x128xi32, #tpu.memory_space<vmem>>
          %dma_wait3A_159 = tpu.memref_squeeze %dma_wait3A_158 : memref<1x1x128xi32, #tpu.memory_space<vmem>> -> memref<128xi32, #tpu.memory_space<vmem>>
          %dma_wait3A_160 = arith.constant 0 : i32
          %dma_wait3A_161 = arith.constant 0 : i32
          %dma_wait3A_162 = tpu.memref_slice %arg8[%dma_wait3A_160, %dma_wait3A_161] : memref<10000x128xf32, #tpu.memory_space<vmem_shared>> -> memref<10000x128xf32, #tpu.memory_space<vmem_shared>>
          tpu.wait_indirect_dma semaphore(%run_scoped3A_150 : memref<!tpu.dma_semaphore, #tpu.memory_space<semaphore_mem>>) src(%arg6 : memref<128x128xf32, #tpu.memory_space<vmem>>) dst(%dma_wait3A_162 : memref<10000x128xf32, #tpu.memory_space<vmem_shared>>)
          tpu.yield
        }) : () -> ()
        %mul3A_126 = arith.constant 2 : i32
        %mul3A_127 = arith.muli %mul3A_126, %while3A_117 : i32
        %add3A_128 = arith.constant 2 : i32
        %add3A_129 = arith.addi %mul3A_127, %add3A_128 : i32
        %lt3A_130 = arith.cmpi slt, %add3A_129, %min3A_65 : i32
        %convert_element_type3A_131 = arith.extui %lt3A_130 : i1 to i32
        %cond3A_132 = arith.constant 0 : i32
        %cond3A_133 = arith.cmpi ne, %convert_element_type3A_131, %cond3A_132 : i32
        scf.if %cond3A_133 {
          %mul3A_150 = arith.constant 2 : i32
          %mul3A_151 = arith.muli %mul3A_150, %while3A_117 : i32
          %add3A_152 = arith.constant 2 : i32
          %add3A_153 = arith.addi %mul3A_151, %add3A_152 : i32
          %dma_start3A_154 = arith.constant 0 : i32
          %dma_start3A_155 = arith.constant 0 : i32
          %dma_start3A_156 = tpu.memref_slice %arg5[%add3A_153, %dma_start3A_154, %dma_start3A_155] : memref<64x2x128xi32, #tpu.memory_space<vmem>> -> memref<1x1x128xi32, #tpu.memory_space<vmem>>
          %dma_start3A_157 = tpu.memref_squeeze %dma_start3A_156 : memref<1x1x128xi32, #tpu.memory_space<vmem>> -> memref<128xi32, #tpu.memory_space<vmem>>
          %dma_start3A_158 = arith.constant 0 : i32
          %dma_start3A_159 = arith.constant 0 : i32
          %dma_start3A_160 = tpu.memref_slice %arg3[%dma_start3A_158, %dma_start3A_159] : memref<20000x128xf32, #tpu.memory_space<hbm>> -> memref<20000x128xf32, #tpu.memory_space<hbm>>
          tpu.enqueue_indirect_dma source(%dma_start3A_160 : memref<20000x128xf32, #tpu.memory_space<hbm>>) target(%arg6 : memref<128x128xf32, #tpu.memory_space<vmem>>) offsets(%dma_start3A_157 : memref<128xi32, #tpu.memory_space<vmem>>) semaphore(%arg9 : memref<!tpu.dma_semaphore, #tpu.memory_space<semaphore_mem>>)
        } else {
        }
        %mul3A_134 = arith.constant 2 : i32
        %mul3A_135 = arith.muli %mul3A_134, %while3A_117 : i32
        %add3A_136 = arith.constant 1 : i32
        %add3A_137 = arith.addi %mul3A_135, %add3A_136 : i32
        %lt3A_138 = arith.cmpi slt, %add3A_137, %min3A_65 : i32
        %convert_element_type3A_139 = arith.extui %lt3A_138 : i1 to i32
        %cond3A_140 = arith.constant 0 : i32
        %cond3A_141 = arith.cmpi ne, %convert_element_type3A_139, %cond3A_140 : i32
        scf.if %cond3A_141 {
          %mul3A_150 = arith.constant 2 : i32
          %mul3A_151 = arith.muli %mul3A_150, %while3A_117 : i32
          %add3A_152 = arith.constant 1 : i32
          %add3A_153 = arith.addi %mul3A_151, %add3A_152 : i32
          %dma_wait3A_154 = arith.constant 0 : i32
          %dma_wait3A_155 = arith.constant 0 : i32
          %dma_wait3A_156 = tpu.memref_slice %arg5[%add3A_153, %dma_wait3A_154, %dma_wait3A_155] : memref<64x2x128xi32, #tpu.memory_space<vmem>> -> memref<1x1x128xi32, #tpu.memory_space<vmem>>
          %dma_wait3A_157 = tpu.memref_squeeze %dma_wait3A_156 : memref<1x1x128xi32, #tpu.memory_space<vmem>> -> memref<128xi32, #tpu.memory_space<vmem>>
          %dma_wait3A_158 = arith.constant 0 : i32
          %dma_wait3A_159 = arith.constant 0 : i32
          %dma_wait3A_160 = tpu.memref_slice %arg3[%dma_wait3A_158, %dma_wait3A_159] : memref<20000x128xf32, #tpu.memory_space<hbm>> -> memref<20000x128xf32, #tpu.memory_space<hbm>>
          tpu.wait_indirect_dma semaphore(%arg10 : memref<!tpu.dma_semaphore, #tpu.memory_space<semaphore_mem>>) src(%dma_wait3A_160 : memref<20000x128xf32, #tpu.memory_space<hbm>>) dst(%arg7 : memref<128x128xf32, #tpu.memory_space<vmem>>)
          %run_scoped3A_161 = arith.constant 1 : i32
          "tpu.region"() ({
            %run_scoped3A_162 = tpu.sem_alloc : memref<!tpu.dma_semaphore, #tpu.memory_space<semaphore_mem>>
            %dma_start3A_163 = arith.constant 0 : i32
            %dma_start3A_164 = tpu.memref_slice %arg5[%add3A_153, %run_scoped3A_161, %dma_start3A_163] : memref<64x2x128xi32, #tpu.memory_space<vmem>> -> memref<1x1x128xi32, #tpu.memory_space<vmem>>
            %dma_start3A_165 = tpu.memref_squeeze %dma_start3A_164 : memref<1x1x128xi32, #tpu.memory_space<vmem>> -> memref<128xi32, #tpu.memory_space<vmem>>
            %dma_start3A_166 = arith.constant 0 : i32
            %dma_start3A_167 = arith.constant 0 : i32
            %dma_start3A_168 = tpu.memref_slice %arg8[%dma_start3A_166, %dma_start3A_167] : memref<10000x128xf32, #tpu.memory_space<vmem_shared>> -> memref<10000x128xf32, #tpu.memory_space<vmem_shared>>
            tpu.enqueue_indirect_dma source(%arg7 : memref<128x128xf32, #tpu.memory_space<vmem>>) target(%dma_start3A_168 : memref<10000x128xf32, #tpu.memory_space<vmem_shared>>) offsets(%dma_start3A_165 : memref<128xi32, #tpu.memory_space<vmem>>) semaphore(%run_scoped3A_162 : memref<!tpu.dma_semaphore, #tpu.memory_space<semaphore_mem>>) {add = true}
            %dma_wait3A_169 = arith.constant 0 : i32
            %dma_wait3A_170 = tpu.memref_slice %arg5[%add3A_153, %run_scoped3A_161, %dma_wait3A_169] : memref<64x2x128xi32, #tpu.memory_space<vmem>> -> memref<1x1x128xi32, #tpu.memory_space<vmem>>
            %dma_wait3A_171 = tpu.memref_squeeze %dma_wait3A_170 : memref<1x1x128xi32, #tpu.memory_space<vmem>> -> memref<128xi32, #tpu.memory_space<vmem>>
            %dma_wait3A_172 = arith.constant 0 : i32
            %dma_wait3A_173 = arith.constant 0 : i32
            %dma_wait3A_174 = tpu.memref_slice %arg8[%dma_wait3A_172, %dma_wait3A_173] : memref<10000x128xf32, #tpu.memory_space<vmem_shared>> -> memref<10000x128xf32, #tpu.memory_space<vmem_shared>>
            tpu.wait_indirect_dma semaphore(%run_scoped3A_162 : memref<!tpu.dma_semaphore, #tpu.memory_space<semaphore_mem>>) src(%arg7 : memref<128x128xf32, #tpu.memory_space<vmem>>) dst(%dma_wait3A_174 : memref<10000x128xf32, #tpu.memory_space<vmem_shared>>)
            tpu.yield
          }) : () -> ()
        } else {
        }
        %mul3A_142 = arith.constant 2 : i32
        %mul3A_143 = arith.muli %mul3A_142, %while3A_117 : i32
        %add3A_144 = arith.constant 3 : i32
        %add3A_145 = arith.addi %mul3A_143, %add3A_144 : i32
        %lt3A_146 = arith.cmpi slt, %add3A_145, %min3A_65 : i32
        %convert_element_type3A_147 = arith.extui %lt3A_146 : i1 to i32
        %cond3A_148 = arith.constant 0 : i32
        %cond3A_149 = arith.cmpi ne, %convert_element_type3A_147, %cond3A_148 : i32
        scf.if %cond3A_149 {
          %mul3A_150 = arith.constant 2 : i32
          %mul3A_151 = arith.muli %mul3A_150, %while3A_117 : i32
          %add3A_152 = arith.constant 3 : i32
          %add3A_153 = arith.addi %mul3A_151, %add3A_152 : i32
          %dma_start3A_154 = arith.constant 0 : i32
          %dma_start3A_155 = arith.constant 0 : i32
          %dma_start3A_156 = tpu.memref_slice %arg5[%add3A_153, %dma_start3A_154, %dma_start3A_155] : memref<64x2x128xi32, #tpu.memory_space<vmem>> -> memref<1x1x128xi32, #tpu.memory_space<vmem>>
          %dma_start3A_157 = tpu.memref_squeeze %dma_start3A_156 : memref<1x1x128xi32, #tpu.memory_space<vmem>> -> memref<128xi32, #tpu.memory_space<vmem>>
          %dma_start3A_158 = arith.constant 0 : i32
          %dma_start3A_159 = arith.constant 0 : i32
          %dma_start3A_160 = tpu.memref_slice %arg3[%dma_start3A_158, %dma_start3A_159] : memref<20000x128xf32, #tpu.memory_space<hbm>> -> memref<20000x128xf32, #tpu.memory_space<hbm>>
          tpu.enqueue_indirect_dma source(%dma_start3A_160 : memref<20000x128xf32, #tpu.memory_space<hbm>>) target(%arg7 : memref<128x128xf32, #tpu.memory_space<vmem>>) offsets(%dma_start3A_157 : memref<128xi32, #tpu.memory_space<vmem>>) semaphore(%arg10 : memref<!tpu.dma_semaphore, #tpu.memory_space<semaphore_mem>>)
        } else {
        }
      }
    }
    %barrier3A_44 = arith.constant 0 : index
    tpu.barrier barrier_id(%barrier3A_44)
    %mul3A_45 = arith.constant 624 : i32
    %mul3A_46 = arith.muli %arg1, %mul3A_45 : i32
    %lt3A_47 = arith.constant 15 : i32
    %lt3A_48 = arith.cmpi slt, %arg1, %lt3A_47 : i32
    %convert_element_type3A_49 = arith.extui %lt3A_48 : i1 to i32
    %cond3A_50 = arith.constant 0 : i32
    %cond3A_51 = arith.cmpi ne, %convert_element_type3A_49, %cond3A_50 : i32
    scf.if %cond3A_51 {
      %add3A_57 = arith.addi %multiple_of3A, %mul3A_46 : i32
      "tpu.region"() ({
        %run_scoped3A = tpu.sem_alloc : memref<!tpu.dma_semaphore, #tpu.memory_space<semaphore_mem>>
        %dma_start3A = arith.constant 0 : i32
        %dma_start3A_58 = tpu.memref_slice %arg4[%add3A_57, %dma_start3A] : memref<20000x128xf32, #tpu.memory_space<hbm>> -> memref<624x128xf32, #tpu.memory_space<hbm>>
        %dma_start3A_59 = arith.constant 0 : i32
        %dma_start3A_60 = tpu.memref_slice %arg8[%mul3A_46, %dma_start3A_59] : memref<10000x128xf32, #tpu.memory_space<vmem_shared>> -> memref<624x128xf32, #tpu.memory_space<vmem_shared>>
        tpu.enqueue_dma source(%dma_start3A_60 : memref<624x128xf32, #tpu.memory_space<vmem_shared>>) target(%dma_start3A_58 : memref<624x128xf32, #tpu.memory_space<hbm>>) target_semaphore(%run_scoped3A : memref<!tpu.dma_semaphore, #tpu.memory_space<semaphore_mem>>)
        %dma_wait3A = arith.constant 0 : i32
        %dma_wait3A_61 = tpu.memref_slice %arg4[%add3A_57, %dma_wait3A] : memref<20000x128xf32, #tpu.memory_space<hbm>> -> memref<624x128xf32, #tpu.memory_space<hbm>>
        %dma_wait3A_62 = arith.constant 0 : i32
        %dma_wait3A_63 = tpu.memref_slice %arg8[%mul3A_46, %dma_wait3A_62] : memref<10000x128xf32, #tpu.memory_space<vmem_shared>> -> memref<624x128xf32, #tpu.memory_space<vmem_shared>>
        tpu.wait_dma2 semaphore(%run_scoped3A : memref<!tpu.dma_semaphore, #tpu.memory_space<semaphore_mem>>) src(%dma_wait3A_63 : memref<624x128xf32, #tpu.memory_space<vmem_shared>>) dst(%dma_wait3A_61 : memref<624x128xf32, #tpu.memory_space<hbm>>)
        tpu.yield
      }) : () -> ()
    } else {
    }
    %eq3A_52 = arith.constant 15 : i32
    %eq3A_53 = arith.cmpi eq, %arg1, %eq3A_52 : i32
    %convert_element_type3A_54 = arith.extui %eq3A_53 : i1 to i32
    %cond3A_55 = arith.constant 0 : i32
    %cond3A_56 = arith.cmpi ne, %convert_element_type3A_54, %cond3A_55 : i32
    scf.if %cond3A_56 {
      %add3A_57 = arith.constant 9360 : i32
      %add3A_58 = arith.addi %multiple_of3A, %add3A_57 : i32
      "tpu.region"() ({
        %run_scoped3A = tpu.sem_alloc : memref<!tpu.dma_semaphore, #tpu.memory_space<semaphore_mem>>
        %dma_start3A = arith.constant 0 : i32
        %dma_start3A_59 = tpu.memref_slice %arg4[%add3A_58, %dma_start3A] : memref<20000x128xf32, #tpu.memory_space<hbm>> -> memref<640x128xf32, #tpu.memory_space<hbm>>
        %dma_start3A_60 = arith.constant 9360 : i32
        %dma_start3A_61 = arith.constant 0 : i32
        %dma_start3A_62 = tpu.memref_slice %arg8[%dma_start3A_60, %dma_start3A_61] : memref<10000x128xf32, #tpu.memory_space<vmem_shared>> -> memref<640x128xf32, #tpu.memory_space<vmem_shared>>
        tpu.enqueue_dma source(%dma_start3A_62 : memref<640x128xf32, #tpu.memory_space<vmem_shared>>) target(%dma_start3A_59 : memref<640x128xf32, #tpu.memory_space<hbm>>) target_semaphore(%run_scoped3A : memref<!tpu.dma_semaphore, #tpu.memory_space<semaphore_mem>>)
        %dma_wait3A = arith.constant 0 : i32
        %dma_wait3A_63 = tpu.memref_slice %arg4[%add3A_58, %dma_wait3A] : memref<20000x128xf32, #tpu.memory_space<hbm>> -> memref<640x128xf32, #tpu.memory_space<hbm>>
        %dma_wait3A_64 = arith.constant 9360 : i32
        %dma_wait3A_65 = arith.constant 0 : i32
        %dma_wait3A_66 = tpu.memref_slice %arg8[%dma_wait3A_64, %dma_wait3A_65] : memref<10000x128xf32, #tpu.memory_space<vmem_shared>> -> memref<640x128xf32, #tpu.memory_space<vmem_shared>>
        tpu.wait_dma2 semaphore(%run_scoped3A : memref<!tpu.dma_semaphore, #tpu.memory_space<semaphore_mem>>) src(%dma_wait3A_66 : memref<640x128xf32, #tpu.memory_space<vmem_shared>>) dst(%dma_wait3A_63 : memref<640x128xf32, #tpu.memory_space<hbm>>)
        tpu.yield
      }) : () -> ()
    } else {
    }
    return
  }
}

module attributes {stable_mosaic.version = 14 : i64} {
  func.func @_dense1_body(%arg0: memref<20000x128xf32, #tpu.memory_space<vmem>>, %arg1: memref<128x128xf32, #tpu.memory_space<vmem>>, %arg2: memref<1x128xf32, #tpu.memory_space<vmem>>, %arg3: memref<128x128xf32, #tpu.memory_space<vmem>>, %arg4: memref<1x128xf32, #tpu.memory_space<vmem>>, %arg5: memref<10000x128xf32, #tpu.memory_space<vmem>>, %arg6: memref<10000x128xf32, #tpu.memory_space<vmem>>) attributes {dimension_semantics = [], scalar_prefetch = 0 : i64, scratch_operands = 0 : i64, tpu.core_type = #tpu.core_type<tc>} {
    %get3A = arith.constant 0 : index
    %get3A_0 = arith.constant 0 : index
    %get3A_1 = vector.load %arg0[%get3A, %get3A_0] : memref<20000x128xf32, #tpu.memory_space<vmem>>, vector<10000x128xf32>
    %get3A_2 = arith.constant 10000 : index
    %get3A_3 = arith.constant 0 : index
    %get3A_4 = vector.load %arg0[%get3A_2, %get3A_3] : memref<20000x128xf32, #tpu.memory_space<vmem>>, vector<10000x128xf32>
    %get3A_5 = arith.constant 0 : index
    %get3A_6 = arith.constant 0 : index
    %get3A_7 = vector.load %arg1[%get3A_5, %get3A_6] : memref<128x128xf32, #tpu.memory_space<vmem>>, vector<128x128xf32>
    %dot_general3A = arith.constant dense<0.000000e+00> : vector<10000x128xf32>
    %dot_general3A_8 = tpu.matmul %get3A_1, %get3A_7, %dot_general3A {dimension_numbers = #tpu.dot_dimension_numbers<[1], [0], [0], [1], [0, 0, 1, 1], [], []>, transpose_lhs_hint = false} : vector<10000x128xf32>, vector<128x128xf32>, vector<10000x128xf32> -> vector<10000x128xf32>
    %max3A = arith.constant 0.000000e+00 : f32
    %max3A_9 = vector.broadcast %max3A : f32 to vector<10000x128xf32>
    %max3A_10 = arith.maximumf %dot_general3A_8, %max3A_9 : vector<10000x128xf32>
    %get3A_11 = arith.constant 0 : index
    %get3A_12 = arith.constant 0 : index
    %get3A_13 = vector.load %arg2[%get3A_11, %get3A_12] : memref<1x128xf32, #tpu.memory_space<vmem>>, vector<1x128xf32>
    %add3A = vector.broadcast %get3A_13 : vector<1x128xf32> to vector<10000x128xf32>
    %add3A_14 = arith.addf %max3A_10, %add3A : vector<10000x128xf32>
    %get3A_15 = arith.constant 0 : index
    %get3A_16 = arith.constant 0 : index
    %get3A_17 = vector.load %arg3[%get3A_15, %get3A_16] : memref<128x128xf32, #tpu.memory_space<vmem>>, vector<128x128xf32>
    %dot_general3A_18 = arith.constant dense<0.000000e+00> : vector<10000x128xf32>
    %dot_general3A_19 = tpu.matmul %get3A_4, %get3A_17, %dot_general3A_18 {dimension_numbers = #tpu.dot_dimension_numbers<[1], [0], [0], [1], [0, 0, 1, 1], [], []>, transpose_lhs_hint = false} : vector<10000x128xf32>, vector<128x128xf32>, vector<10000x128xf32> -> vector<10000x128xf32>
    %get3A_20 = arith.constant 0 : index
    %get3A_21 = arith.constant 0 : index
    %get3A_22 = vector.load %arg4[%get3A_20, %get3A_21] : memref<1x128xf32, #tpu.memory_space<vmem>>, vector<1x128xf32>
    %add3A_23 = vector.broadcast %get3A_22 : vector<1x128xf32> to vector<10000x128xf32>
    %add3A_24 = arith.addf %dot_general3A_19, %add3A_23 : vector<10000x128xf32>
    %max3A_25 = arith.constant 0.000000e+00 : f32
    %max3A_26 = vector.broadcast %max3A_25 : f32 to vector<10000x128xf32>
    %max3A_27 = arith.maximumf %add3A_24, %max3A_26 : vector<10000x128xf32>
    %swap3A = arith.constant 0 : index
    %swap3A_28 = arith.constant 0 : index
    %swap3A_29 = vector.load %arg5[%swap3A, %swap3A_28] : memref<10000x128xf32, #tpu.memory_space<vmem>>, vector<10000x128xf32>
    tpu.vector_store %arg5[%swap3A, %swap3A_28], %add3A_14 {strides = array<i32>} : memref<10000x128xf32, #tpu.memory_space<vmem>>, vector<10000x128xf32>,
    %add3A_30 = arith.addf %add3A_14, %max3A_27 : vector<10000x128xf32>
    %swap3A_31 = arith.constant 0 : index
    %swap3A_32 = arith.constant 0 : index
    %swap3A_33 = vector.load %arg6[%swap3A_31, %swap3A_32] : memref<10000x128xf32, #tpu.memory_space<vmem>>, vector<10000x128xf32>
    tpu.vector_store %arg6[%swap3A_31, %swap3A_32], %add3A_30 {strides = array<i32>} : memref<10000x128xf32, #tpu.memory_space<vmem>>, vector<10000x128xf32>,
    return
  }
}

module attributes {stable_mosaic.version = 14 : i64} {
  func.func @_dense2_body(%arg0: memref<20000x128xf32, #tpu.memory_space<vmem>>, %arg1: memref<10000x128xf32, #tpu.memory_space<vmem>>, %arg2: memref<128x128xf32, #tpu.memory_space<vmem>>, %arg3: memref<1x128xf32, #tpu.memory_space<vmem>>, %arg4: memref<128x128xf32, #tpu.memory_space<vmem>>, %arg5: memref<1x128xf32, #tpu.memory_space<vmem>>, %arg6: memref<512x128xf32, #tpu.memory_space<vmem>>, %arg7: memref<128x64xf32, #tpu.memory_space<vmem>>, %arg8: memref<10000x128xf32, #tpu.memory_space<vmem>>, %arg9: memref<512x64xf32, #tpu.memory_space<vmem>>) attributes {dimension_semantics = [], scalar_prefetch = 0 : i64, scratch_operands = 0 : i64, tpu.core_type = #tpu.core_type<tc>} {
    %get3A = arith.constant 0 : index
    %get3A_0 = arith.constant 0 : index
    %get3A_1 = vector.load %arg0[%get3A, %get3A_0] : memref<20000x128xf32, #tpu.memory_space<vmem>>, vector<10000x128xf32>
    %get3A_2 = arith.constant 10000 : index
    %get3A_3 = arith.constant 0 : index
    %get3A_4 = vector.load %arg0[%get3A_2, %get3A_3] : memref<20000x128xf32, #tpu.memory_space<vmem>>, vector<10000x128xf32>
    %add3A = arith.addf %get3A_1, %get3A_4 : vector<10000x128xf32>
    %get3A_5 = arith.constant 0 : index
    %get3A_6 = arith.constant 0 : index
    %get3A_7 = vector.load %arg1[%get3A_5, %get3A_6] : memref<10000x128xf32, #tpu.memory_space<vmem>>, vector<10000x128xf32>
    %sub3A = arith.subf %add3A, %get3A_7 : vector<10000x128xf32>
    %get3A_8 = arith.constant 0 : index
    %get3A_9 = arith.constant 0 : index
    %get3A_10 = vector.load %arg2[%get3A_8, %get3A_9] : memref<128x128xf32, #tpu.memory_space<vmem>>, vector<128x128xf32>
    %dot_general3A = arith.constant dense<0.000000e+00> : vector<10000x128xf32>
    %dot_general3A_11 = tpu.matmul %sub3A, %get3A_10, %dot_general3A {dimension_numbers = #tpu.dot_dimension_numbers<[1], [0], [0], [1], [0, 0, 1, 1], [], []>, transpose_lhs_hint = false} : vector<10000x128xf32>, vector<128x128xf32>, vector<10000x128xf32> -> vector<10000x128xf32>
    %get3A_12 = arith.constant 0 : index
    %get3A_13 = arith.constant 0 : index
    %get3A_14 = vector.load %arg3[%get3A_12, %get3A_13] : memref<1x128xf32, #tpu.memory_space<vmem>>, vector<1x128xf32>
    %add3A_15 = vector.broadcast %get3A_14 : vector<1x128xf32> to vector<10000x128xf32>
    %add3A_16 = arith.addf %dot_general3A_11, %add3A_15 : vector<10000x128xf32>
    %max3A = arith.constant 0.000000e+00 : f32
    %max3A_17 = vector.broadcast %max3A : f32 to vector<10000x128xf32>
    %max3A_18 = arith.maximumf %add3A_16, %max3A_17 : vector<10000x128xf32>
    %get3A_19 = arith.constant 0 : index
    %get3A_20 = arith.constant 0 : index
    %get3A_21 = vector.load %arg4[%get3A_19, %get3A_20] : memref<128x128xf32, #tpu.memory_space<vmem>>, vector<128x128xf32>
    %dot_general3A_22 = arith.constant dense<0.000000e+00> : vector<10000x128xf32>
    %dot_general3A_23 = tpu.matmul %max3A_18, %get3A_21, %dot_general3A_22 {dimension_numbers = #tpu.dot_dimension_numbers<[1], [0], [0], [1], [0, 0, 1, 1], [], []>, transpose_lhs_hint = false} : vector<10000x128xf32>, vector<128x128xf32>, vector<10000x128xf32> -> vector<10000x128xf32>
    %get3A_24 = arith.constant 0 : index
    %get3A_25 = arith.constant 0 : index
    %get3A_26 = vector.load %arg5[%get3A_24, %get3A_25] : memref<1x128xf32, #tpu.memory_space<vmem>>, vector<1x128xf32>
    %add3A_27 = vector.broadcast %get3A_26 : vector<1x128xf32> to vector<10000x128xf32>
    %add3A_28 = arith.addf %dot_general3A_23, %add3A_27 : vector<10000x128xf32>
    %swap3A = arith.constant 0 : index
    %swap3A_29 = arith.constant 0 : index
    %swap3A_30 = vector.load %arg8[%swap3A, %swap3A_29] : memref<10000x128xf32, #tpu.memory_space<vmem>>, vector<10000x128xf32>
    tpu.vector_store %arg8[%swap3A, %swap3A_29], %add3A_28 {strides = array<i32>} : memref<10000x128xf32, #tpu.memory_space<vmem>>, vector<10000x128xf32>,
    %get3A_31 = arith.constant 0 : index
    %get3A_32 = arith.constant 0 : index
    %get3A_33 = vector.load %arg6[%get3A_31, %get3A_32] : memref<512x128xf32, #tpu.memory_space<vmem>>, vector<512x128xf32>
    %get3A_34 = arith.constant 0 : index
    %get3A_35 = arith.constant 0 : index
    %get3A_36 = vector.load %arg7[%get3A_34, %get3A_35] : memref<128x64xf32, #tpu.memory_space<vmem>>, vector<128x64xf32>
    %dot_general3A_37 = arith.constant dense<0.000000e+00> : vector<512x64xf32>
    %dot_general3A_38 = tpu.matmul %get3A_33, %get3A_36, %dot_general3A_37 {dimension_numbers = #tpu.dot_dimension_numbers<[1], [0], [0], [1], [0, 0, 1, 1], [], []>, transpose_lhs_hint = false} : vector<512x128xf32>, vector<128x64xf32>, vector<512x64xf32> -> vector<512x64xf32>
    %swap3A_39 = arith.constant 0 : index
    %swap3A_40 = arith.constant 0 : index
    %swap3A_41 = vector.load %arg9[%swap3A_39, %swap3A_40] : memref<512x64xf32, #tpu.memory_space<vmem>>, vector<512x64xf32>
    tpu.vector_store %arg9[%swap3A_39, %swap3A_40], %dot_general3A_38 {strides = array<i32>} : memref<512x64xf32, #tpu.memory_space<vmem>>, vector<512x64xf32>,
    return
  }
}

</mosaic_0001>

<sc_bundles>
// kernel: kernel.6.cloned.1.call-start
scs
__scs_entry_jumppad:
0x0: {  	(pc) =	sbr.rel $0x88, $3  }
0x1: {  	(tag) =	ssettag $0x0;
	lr =	simm.s32 $0x1  }
0x2: {  	[smem:$0x3F93] =	sst lr;
	_ =	strace $0xD0000000  }
0x3: {  	_ = 	snop  }
0x4: {  	_ = 	snop  }
0x5: {  	_ = 	snop  }
0x6: {  	_ = 	snop  }
0x7: {  	_ = 	snop  }
__scs_overlays_trampoline_lowered:
0x8: {  	[smem:$0x3FA2] =	sst s0  }
0x9: {  	[smem:$0x3FA3] =	sst s1  }
0xa: {  	[smem:$0x3FA4] =	sst s2  }
0xb: {  	[smem:$0x3FA5] =	sst s3  }
0xc: {  	[smem:$0x3FA6] =	sst s4  }
0xd: {  	[smem:$0x3FA7] =	sst s5  }
0xe: {  	[smem:$0x3FA8] =	sst s6  }
0xf: {  	[smem:$0x3FA9] =	sst s7  }
0x10: {  	[smem:$0x3FAA] =	sst s8  }
0x11: {  	[smem:$0x3FAB] =	sst s9;
	s0 =	simm.s32 @!p0 $0x0  }
0x12: {  	s1 =	sld [smem:$0x3F91];
	s0 =	simm.s32 @p0 $0x1  }
0x13: {  	[smem:$0x3FAC] =	sst s0;
	s0 =	simm.s32 @!p1 $0x0  }
0x14: {  	s2 =	sld [smem:$0x3F90];
	s0 =	simm.s32 @p1 $0x1  }
0x15: {  	[smem:$0x3FAD] =	sst s0;
	s0 =	simm.s32 @!p2 $0x0  }
0x16: {  	s3 =	sld [smem:$0x3FDB];
	s0 =	simm.s32 @p2 $0x1  }
0x17: {  	s4 =	simm.s32 $0x1BF5;
	[smem:$0x3FAF] =	sst s0  }
0x18: {  	s0 =	sld [smem:$0x3F92];
	_ =	swait.ge [sflag:s4], $0x0  }
0x19: {  	s7 =	sld [smem:$0x3F93]  }
0x1a: {  	s8 =	sadd.s32 $0xFFFFE003, lr  }
0x1b: {  	s9 =	sadd.s32 $0xFFFFFEF7, lr;
	s5 =	simm.s32 $0xFFFFFFFF;
	p2 =	slt.u32 s8, $0xFFFFF086  }
0x1c: {  	p1 =	slt.u32 s9, $0xF7A;
	s5 =	simm.s32 @!p2 $0x0  }
0x1d: {  	s5 =	simm.s32 @p1 $0x1;
	p0 =	seq.s32 s7, s2  }
0x1e: {  	s7 =	smul.u32 @!p0 $0xF7A, s2;
	p2 =	seq.s32 @!p0 s5, $0x0  }
0x1f: {  	s9 =	smul.u32 $0xF7A, s1;
	s8 =	simm.s32 @!p0 $0x1BF5;
	p2 =	por !p2, p0  }
0x20: {  	[sflag:s8] =	ssyncset.s32 @!p0 $0xFFFFF086;
	s6 =	sadd.s32 @!p0 s3, s7;
	s7 =	simm.s32 @!p0 $0x108  }
0x21: {  	s3 =	sadd.s32 s3, s9;
	s6 =	sadd.s32 @!p0 $0x88, s6;
	s7 =	simm.s32 @p2 $0x1082  }
0x22: {  	[simem:s7], [sflag:s8] =	dma.local @!p0 [hbm:s6], $0xF7A  }
0x23: {  	s9 =	sor.u32 $0xD0000000, s2;
	s6 =	simm.s32 $0x108;
	_ =	swait.ge @!p0 [sflag:s8], $0x0  }
0x24: {  	s3 =	sadd.s32 $0x88, s3;
	s6 =	simm.s32 @!p1 $0x1082;
	[sflag:s4] =	ssyncset.s32 $0xFFFFF086  }
0x25: {  	[simem:s6], [sflag:s4] =	dma.local [hbm:s3], $0xF7A  }
0x26: {  	[smem:$0x3F93] =	sst s1;
	(tag) =	ssettag s2;
	_ =	strace s9  }
0x27: {  	s1 =	sld [smem:$0x3FA3]  }
0x28: {  	s2 =	sld [smem:$0x3FA4]  }
0x29: {  	s4 =	sld [smem:$0x3FA6]  }
0x2a: {  	p0 =	seq.s32 s5, $0x0;
	s5 =	sld [smem:$0x3FA7]  }
0x2b: {  	s6 =	sld [smem:$0x3FA8]  }
0x2c: {  	s7 =	sld [smem:$0x3FA9]  }
0x2d: {  	s3 =	simm.s32 $0x108;
	s8 =	sld [smem:$0x3FAA]  }
0x2e: {  	s3 =	simm.s32 @!p0 $0x1082;
	s9 =	sld [smem:$0x3FAB]  }
0x2f: {  	lr =	sadd.s32 s0, s3;
	s0 =	sld [smem:$0x3FA2]  }
0x30: {  	s3 =	sld [smem:$0x3FA5]  }
0x31: {  	[smem:$0x3FAE] =	sst s10  }
0x32: {  	s10 =	sld [smem:$0x3FAC];
	_ =	sdelay $0x3  }
0x33: {  	p0 =	seq.s32 s10, $0x1;
	s10 =	sld [smem:$0x3FAE];
	_ =	sdelay $0x3  }
0x34: {  	[smem:$0x3FAE] =	sst s10  }
0x35: {  	s10 =	sld [smem:$0x3FAD];
	_ =	sdelay $0x3  }
0x36: {  	p1 =	seq.s32 s10, $0x1;
	s10 =	sld [smem:$0x3FAE];
	_ =	sdelay $0x3  }
0x37: {  	[smem:$0x3FAE] =	sst s10  }
0x38: {  	s10 =	sld [smem:$0x3FAF]  }
0x39: {  	_ = 	snop;
	(pc) =	sbr.ind lr, $3  }
0x3a: {  	_ = 	snop  }
0x3b: {  	_ = 	snop  }
0x3c: {  	p2 =	seq.s32 s10, $0x1;
	s10 =	sld [smem:$0x3FAE]  }
0x3d: {  	_ =	shalt  }
0x3e: {  	_ =	shalt  }
0x3f: {  	_ =	shalt  }
0x40: {  	_ =	shalt  }
0x41: {  	_ =	shalt  }
0x42: {  	_ =	shalt  }
0x43: {  	_ =	shalt  }
0x44: {  	_ =	shalt  }
0x45: {  	_ =	shalt  }
0x46: {  	_ =	shalt  }
0x47: {  	_ =	shalt  }
0x48: {  	_ =	shalt  }
0x49: {  	_ =	shalt  }
0x4a: {  	_ =	shalt  }
0x4b: {  	_ =	shalt  }
0x4c: {  	_ =	shalt  }
0x4d: {  	_ =	shalt  }
0x4e: {  	_ =	shalt  }
0x4f: {  	_ =	shalt  }
0x50: {  	_ =	shalt  }
0x51: {  	_ =	shalt  }
0x52: {  	_ =	shalt  }
0x53: {  	_ =	shalt  }
0x54: {  	_ =	shalt  }
0x55: {  	_ =	shalt  }
0x56: {  	_ =	shalt  }
0x57: {  	_ =	shalt  }
0x58: {  	_ =	shalt  }
0x59: {  	_ =	shalt  }
0x5a: {  	_ =	shalt  }
0x5b: {  	_ =	shalt  }
0x5c: {  	_ =	shalt  }
0x5d: {  	_ =	shalt  }
0x5e: {  	_ =	shalt  }
0x5f: {  	_ =	shalt  }
0x60: {  	_ =	shalt  }
0x61: {  	_ =	shalt  }
0x62: {  	_ =	shalt  }
0x63: {  	_ =	shalt  }
0x64: {  	_ =	shalt  }
0x65: {  	_ =	shalt  }
0x66: {  	_ =	shalt  }
0x67: {  	_ =	shalt  }
0x68: {  	_ =	shalt  }
0x69: {  	_ =	shalt  }
0x6a: {  	_ =	shalt  }
0x6b: {  	_ =	shalt  }
0x6c: {  	_ =	shalt  }
0x6d: {  	_ =	shalt  }
0x6e: {  	_ =	shalt  }
0x6f: {  	_ =	shalt  }
0x70: {  	_ =	shalt  }
0x71: {  	_ =	shalt  }
0x72: {  	_ =	shalt  }
0x73: {  	_ =	shalt  }
0x74: {  	_ =	shalt  }
0x75: {  	_ =	shalt  }
0x76: {  	_ =	shalt  }
0x77: {  	_ =	shalt  }
0x78: {  	_ =	shalt  }
0x79: {  	_ =	shalt  }
0x7a: {  	_ =	shalt  }
0x7b: {  	_ =	shalt  }
0x7c: {  	_ =	shalt  }
0x7d: {  	_ =	shalt  }
0x7e: {  	_ =	shalt  }
0x7f: {  	_ =	shalt  }
0x80: {  	_ =	shalt  }
0x81: {  	_ =	shalt  }
0x82: {  	_ =	shalt  }
0x83: {  	_ =	shalt  }
0x84: {  	_ =	shalt  }
0x85: {  	_ =	shalt  }
0x86: {  	_ =	shalt  }
0x87: {  	_ =	shalt  }
.Lfunc_end0:
.L_simem_size_0:
called_computation_lowered:
.L_overlay_start_0:
0x88: {  	s2 =	sld [smem:$0x3FD9]  }
0x89: {  	s3 =	sld [smem:$0x3FFE];
	_ =	sdelay $0x1  }
0x8a: {  	s1 =	srdreg.scid  }
0x8b: {  	s0 =	sand.u32 $0x1, s1  }
0x8c: {  	s16 =	sshll.u32 s0, $0xA;
	s2 =	sadd.s32 s3, s2  }
0x8d: {  	s2 =	sadd.s32 s2, s16  }
0x8e: {  	[smem:$0x3FBA] =	sst s2  }
0x8f: {  	_ = 	snop  }
0x90: {  	(tm) =	ssettm $0x1  }
0x91: {  	s17 =	sld [smem:$0x3FFB];
	_ =	sdelay $0x3  }
0x92: {  	_ =	strace s17  }
0x93: {  	s2 =	sld [smem:$0x3FFC];
	_ =	sdelay $0x3  }
0x94: {  	_ =	strace s2  }
0x95: {  	s2 =	sld [smem:$0x3FFD];
	_ =	sdelay $0x3  }
0x96: {  	_ =	strace s2  }
0x97: {  	_ =	strace $0x8FFFFFFF  }
0x98: {  	s18 =	sld [smem:$0x3FDB];
	_ =	sdelay $0x1  }
0x99: {  	s19 =	simm.s32 $_scs_section_size  }
0x9a: {  	s4 =	simm.s32 $_size__tile_overlayer_lowered;
	s5 =	simm.s32 $_tile_overlayer_lowered  }
0x9b: {  	s22 =	simm.s32 $0x1BFF;
	s21 =	sshll.u32 s5, $0x1;
	s2 =	sadd.s32 s19, s18  }
0x9c: {  	s6 =	simm.s32 $0x0;
	s20 =	sshll.u32 s4, $0x1;
	s4 =	sadd.s32 s21, s2  }
0x9d: {  	[timem:s6], [sflag:s22] =	dma.local [hbm:s4], s20  }
0x9e: {  	_ =	swait.ge [sflag:s22], s20  }
0x9f: {  	s3 =	ssub.s32 $0x0, s20;
	[sflag:s22] =	ssyncset.done $0x0  }
0xa0: {  	[sflag:s22] =	ssyncadd.s32 s3;
	_ =	sdelay $0x1  }
0xa1: {  	s23 =	simm.s32 $0x1B8B  }
0xa2: {  	_ =	swait.ge [sflag:s23], $0x1  }
0xa3: {  	[sflag:s23] =	ssyncset.done $0x0  }
0xa4: {  	s25 =	simm.s32 $0x1B8E;
	s24 =	sld [smem:$0x3FFE];
	[sflag:s23] =	ssyncadd.s32 $0xFFFFFFFF  }
0xa5: {  	s26 =	simm.s32 $execute0_lowered;
	[smem:$0x3FD2] =	sst s25  }
0xa6: {  	s4 =	sshll.u32 s26, $0x1;
	_ =	strace $0x80000046;
	[dreg:$0x1] =	wrdreg $0xFFFFFFFF  }
0xa7: {  	s28 =	simm.s32 $_size_execute0_lowered;
	s2 =	sadd.s32 s2, s4;
	[dreg:$0x0] =	wrdreg $0x0  }
0xa8: {  	s4 =	sshll.u32 s28, $0x1;
	[dreg:$0x2] =	wrdreg s2  }
0xa9: {  	[dreg:$0x3] =	wrdreg s4  }
0xaa: {  	[dreg:$0x4] =	wrdreg $0xC0  }
0xab: {  	_ =	task [dreg:s6], $0x5FFFF  }
0xac: {  	[dreg:$0x1] =	wrdreg $0xFFFFFFFF  }
0xad: {  	[dreg:$0x0] =	wrdreg $0x60  }
0xae: {  	[dreg:$0x2] =	wrdreg s24  }
0xaf: {  	[dreg:$0x3] =	wrdreg $0xC0000  }
0xb0: {  	[dreg:$0x4] =	wrdreg $0x9  }
0xb1: {  	_ =	task.clear_ibuf [dreg:s6], $0x5FFFF;
	_ =	strace $0x90000046  }
0xb2: {  	s29 =	simm.s32 $0x9;
	_ =	strace $0x80000048  }
0xb3: {  	_ =	swait.ge [sflag:s29], $0x1  }
0xb4: {  	[sflag:s29] =	ssyncadd.s32 $0xFFFFFFFF  }
0xb5: {  	_ =	strace $0x90000048  }
0xb6: {  	_ =	sfence  }
0xb7: {  	s30 =	sld [smem:$0x0];
	_ =	sdelay $0x2  }
0xb8: {  	s31 =	sshll.u32 s1, $0xD;
	s1 =	sshrl.u32 s1, $0x2  }
0xb9: {  	s3 =	sand.u32 $0x4000, s31;
	s1 =	sadd.s32 s1, s30  }
0xba: {  	s0 =	sor.u32 s3, s0;
	s1 =	sshll.u32 s1, $0x11  }
0xbb: {  	s0 =	sor.u32 s1, s0  }
0xbc: {  	s0 =	sadd.s32 $0x8F2B, s0  }
0xbd: {  	[sflag:s0] =	ssyncadd.remote.s32 $0x1  }
0xbe: {  	_ =	sfence.sel $0xFFFF  }
0xbf: {  	[dreg:$0x0] =	wrdreg $0xFFFFFFFF;
	(pc) =	sbr.abs _section_cstart, $3  }
0xc0: {  	[dreg:$0x1] =	wrdreg $0xFFFFFFFF  }
0xc1: {  	_ =	task.clear_ibuf [dreg:s6], $0x2FFFF;
	_ =	strace $0x9FFFFFFF  }
0xc2: {  	(tm) =	ssettm $0x7FFFFFFF  }
0xc3: {  	_ =	shalt  }
tec
execute0_lowered:
.L_overlay_start_1:
0x0: {  	(tag) =	ssettag $0x1  }
0x1: {  	s6 =	rddreg [dreg:$0x0]  }
0x2: {  	s1 =	rddreg [dreg:$0x1]  }
0x3: {  	s2 =	simm.s32 $0x0;
	s4 =	srdreg.scid;
	s0 =	stileid.u32  }
0x4: {  	s17 =	simm.s32 $0x8000;
	s18 =	simm.s32 $0x1;
	[smem:$0x7FF] =	sst s2  }
0x5: {  	s3 =	sadd.s32 $0x3600, s6;
	s8 =	sand.u32 $0x1, s4;
	s28 =	smul.u32 $0x9C, s0  }
0x6: {  	s4 =	sadd.s32 $0x2B000, s6;
	s12 =	sadd.s32 $0x79200, s6;
	s14 =	smul.u32 $0x4E000, s0  }
0x7: {  	p0 =	slt.u32 s0, $0x4;
	s6 =	simm.s32 $0x9D;
	s15 =	smul.u32 $0x2700, s0  }
0x8: {  	s29 =	smin.u32 s0, $0x4;
	s19 =	sadd.s32 $0x124800, s1;
	s9 =	smul.u32 $0x27100, s8  }
0x9: {  	p1 =	seq.s32 s0, $0xF;
	_ =	strace $0x80000047;
	s11 =	smul.u32 $0x9C4, s8  }
0xa: {  	s7 =	ssub.s32 $0x2, s8;
	s6 =	simm.s32 @!p0 $0x9C;
	s16 =	smul.u32 $0x138800, s8  }
0xb: {  	p0 =	sne.s32 s0, $0x0;
	s19 =	sshrl.u32 @p1 s19, $0x3;
	s10 =	sshrl.u32 s7, $0x1  }
0xc: {  	s30 =	sshrl.u32 s14, $0x2;
	s14 =	simm.s32 $0x80;
	s13 =	ssub.s32 s7, s10  }
0xd: {  	s7 =	sadd.s32 s4, s9;
	s10 =	sadd.s32 s28, s11;
	s9 =	sadd.s32 s15, s9  }
0xe: {  	s20 =	sadd.s32 s30, s1;
	s31 =	sshrl.u32 s16, $0x3;
	s15 =	simm.s32 $0x4000  }
0xf: {  	s16 =	simm.s32 $0x100;
	s8 =	sadd.s32 s29, s10;
	s9 =	sadd.s32 s12, s9  }
0x10: {  	s10 =	sadd.s32 s12, s31;
	s11 =	smax.u32 s13, $0x1;
	s12 =	sshrl.u32 @!p0 s1, $0x3  }
0x11: {  	s13 =	simm.s32 $0x3;
	s20 =	sshrl.u32 @!p1 s20, $0x3;
	s10 =	sadd.s32 $0x24900, s10  }
.LBB2_1:
0x12: {  	s21 =	simm.s32 @!p0 $0x1C03  }
0x13: {  	[spmem:s12], [sflag:s21] =	dma.local @!p0 [hbm:s7], $0x27100  }
0x14: {  	s21 =	simm.s32 @!p0 $0x3  }
0x15: {  	_ =	swait.ge @!p0 [sflag:s21], $0x27100  }
0x16: {  	[sflag:s21] =	ssyncset.done @!p0 $0x0  }
0x17: {  	[sflag:s21] =	ssyncadd.s32 @!p0 $0xFFFD8F00  }
0x18: {  	s21 =	simm.s32 $0x0;
	[bflag:$0x0] =	sbarrier.arrive $0xFFFF  }
.LBB2_2:
0x19: {  	s22 =	sshll.u32 s21, $0x6  }
0x1a: {  	s23 =	sadd.s32 s22, s8  }
0x1b: {  	s23 =	sshll.u32 s23, $0x5  }
0x1c: {  	s23 =	sand.u32 $0x1FFFFFE0, s23  }
0x1d: {  	s24 =	simm.s32 $0x0;
	s23 =	sadd.s32 s3, s23  }
0x1e: {  	[tilespmem:s24], [sflag:$0x3] =	stream.linear.gather [hbm4b:s23+s24], $0x4000, $0x38;
	[tilespmem:$0x1F880] =	vst v63  }
0x1f: {  	_ =	swait.ge [sflag:s13], $0x4000  }
0x20: {  	[sflag:s13] =	ssyncset.done $0x0  }
0x21: {  	s22 =	ssub.s32 s6, s22;
	[sflag:s13] =	ssyncadd.s32 $0xFFFFC000  }
0x22: {  	[tilespmem:s15], [sflag:$0x1] =	stream.indirect.gather [hbm4b:s4+s14], $0x80, s24, s14, $0xb8;
	[tilespmem:$0x1F880] =	vst v63  }
0x23: {  	s22 =	smin.u32 s22, $0x40  }
0x24: {  	[tilespmem:s17], [sflag:$0x2] =	stream.indirect.gather [hbm4b:s4+s14], $0x80, s16, s14, $0xb8;
	[tilespmem:$0x1F880] =	vst v63  }
0x25: {  	s26 =	simm.s32 $0x80;
	s5 =	sadd.s32 $0x1, s22;
	_ =	swait.ge [sflag:s18], $0x4000  }
0x26: {  	p3 =	sle.u32 s22, $0x2;
	p2 =	sle.u32 s22, $0x1;
	[sflag:s18] =	ssyncset.done $0x0  }
0x27: {  	p4 =	sle.u32 s22, $0x3;
	s25 =	simm.s32 @!p3 $0x80;
	[sflag:s18] =	ssyncadd.s32 $0xFFFFC000  }
0x28: {  	[spmem:s1] =	stream.indirect.scatter.add.f32 [tilespmem:s15], [sflag:$0x3], $0x80, s26, s14, $0xb8;
	[tilespmem:$0x1F880] =	vst v63  }
0x29: {  	s28 =	simm.s32 @!p2 $0x2;
	s30 =	simm.s32 @!p2 $0x180;
	_ =	swait.ge [sflag:s13], $0x4000  }
0x2a: {  	s29 =	simm.s32 @!p2 $0x3;
	s23 =	sshrl.u32 s5, $0x1;
	[sflag:s13] =	ssyncset.done $0x0  }
0x2b: {  	s24 =	simm.s32 @!p3 $0x200;
	s26 =	simm.s32 @!p3 $0x4000;
	[sflag:s13] =	ssyncadd.s32 $0xFFFFC000  }
0x2c: {  	[tilespmem:s26], [sflag:$0x1] =	stream.indirect.gather @!p3 [hbm4b:s4+s25], $0x80, s24, s25, $0xb8;
	[tilespmem:$0x1F880] =	vst v63  }
0x2d: {  	s31 =	simm.s32 @!p4 $0x8000;
	p3 =	sgt.u32 s23, $0x1;
	_ =	swait.ge @!p2 [sflag:s28], $0x4000  }
.Ltmp0:
0x2e: {  	s24 =	simm.s32 $0x300;
	[sflag:s28] =	ssyncset.done @!p2 $0x0;
	(pc) =	sbr.rel @!p3 .LBB2_4-.Ltmp0, $4  }
0x2f: {  	s25 =	simm.s32 @!p2 $0x80;
	s26 =	simm.s32 @!p2 $0x8000;
	[sflag:s28] =	ssyncadd.s32 @!p2 $0xFFFFC000  }
0x30: {  	[spmem:s1] =	stream.indirect.scatter.add.f32 @!p2 [tilespmem:s26], [sflag:$0x3], $0x80, s30, s25, $0xb8;
	[tilespmem:$0x1F880] =	vst v63  }
0x31: {  	s28 =	simm.s32 $0x300;
	s25 =	simm.s32 $0x1;
	_ =	swait.ge @!p2 [sflag:s29], $0x4000  }
0x32: {  	s26 =	simm.s32 $0x3;
	s30 =	simm.s32 @!p4 $0x80;
	[sflag:s29] =	ssyncset.done @!p2 $0x0  }
.LBB2_3:
0x33: {  	s25 =	sadd.s32 $0x1, s25;
	[sflag:s29] =	ssyncadd.s32 @!p2 $0xFFFFC000;
	s28 =	sadd.s32 $0x200, s28  }
0x34: {  	[tilespmem:s31], [sflag:$0x2] =	stream.indirect.gather @!p4 [hbm4b:s4+s30], $0x80, s24, s30, $0xb8;
	[tilespmem:$0x1F880] =	vst v63  }
0x35: {  	p3 =	slt.u32 s25, s23;
	s24 =	smov.u32 s28;
	_ =	swait.ge [sflag:s18], $0x4000  }
0x36: {  	s29 =	sadd.s32 $0xFFFFFD80, s28;
	[sflag:s18] =	ssyncset.done $0x0  }
0x37: {  	s30 =	sadd.s32 $0x1, s26;
	[sflag:s18] =	ssyncadd.s32 $0xFFFFC000  }
0x38: {  	[spmem:s1] =	stream.indirect.scatter.add.f32 [tilespmem:s15], [sflag:$0x3], $0x80, s29, s14, $0xb8;
	[tilespmem:$0x1F880] =	vst v63  }
0x39: {  	p2 =	sge.u32 s26, s22;
	p4 =	sge.u32 s30, s22;
	_ =	swait.ge [sflag:s13], $0x4000  }
0x3a: {  	s30 =	simm.s32 @!p4 $0x80;
	s29 =	sadd.s32 @!p4 $0xFFFFFF00, s28;
	[sflag:s13] =	ssyncset.done $0x0  }
0x3b: {  	s0 =	simm.s32 @!p2 $0x2;
	s31 =	simm.s32 @!p4 $0x4000;
	[sflag:s13] =	ssyncadd.s32 $0xFFFFC000  }
0x3c: {  	[tilespmem:s31], [sflag:$0x1] =	stream.indirect.gather @!p4 [hbm4b:s4+s30], $0x80, s29, s30, $0xb8;
	[tilespmem:$0x1F880] =	vst v63  }
0x3d: {  	s30 =	simm.s32 @!p2 $0x80;
	s31 =	simm.s32 @!p2 $0x8000;
	_ =	swait.ge @!p2 [sflag:s0], $0x4000  }
.Ltmp1:
0x3e: {  	s5 =	sadd.s32 @!p2 $0xFFFFFE80, s28;
	[sflag:s0] =	ssyncset.done @!p2 $0x0;
	(pc) =	sbr.rel @p3 .LBB2_3-.Ltmp1, $4  }
0x3f: {  	s26 =	sadd.s32 $0x2, s26;
	s29 =	simm.s32 @!p2 $0x3;
	[sflag:s0] =	ssyncadd.s32 @!p2 $0xFFFFC000  }
0x40: {  	[spmem:s1] =	stream.indirect.scatter.add.f32 @!p2 [tilespmem:s31], [sflag:$0x3], $0x80, s5, s30, $0xb8;
	[tilespmem:$0x1F880] =	vst v63  }
0x41: {  	p4 =	sge.u32 s26, s22;
	_ =	swait.ge @!p2 [sflag:s29], $0x4000  }
0x42: {  	s30 =	simm.s32 @!p4 $0x80;
	s31 =	simm.s32 @!p4 $0x8000;
	[sflag:s29] =	ssyncset.done @!p2 $0x0  }
.LBB2_4:
0x43: {  	s21 =	sadd.s32 $0x1, s21  }
0x44: {  	[sflag:s29] =	ssyncadd.s32 @!p2 $0xFFFFC000;
	p2 =	sne.s32 s21, $0x3  }
.Ltmp2:
0x45: {  	_ = 	snop;
	(pc) =	sbr.rel @p2 .LBB2_2-.Ltmp2, $2  }
0x46: {  	_ =	sdelay $0x2  }
0x47: {  	[tilespmem:s31], [sflag:$0x2] =	stream.indirect.gather @!p4 [hbm4b:s4+s30], $0x80, s24, s30, $0xb8;
	[tilespmem:$0x1F880] =	vst v63  }
0x48: {  	[bflag:$0x0] =	sbarrier.arrive $0xFFFF;
	s0 =	simm.s32 @p1 $0x1FC3  }
0x49: {  	[hbm:s10], [sflag:s0] =	dma.local @p1 [spmem:s19], $0x2800  }
0x4a: {  	s0 =	simm.s32 @p1 $0x3  }
0x4b: {  	s5 =	stileid.u32;
	_ =	swait.ge @p1 [sflag:s0], $0x2800  }
0x4c: {  	s2 =	sadd.s32 $0x1, s2;
	s5 =	sshll.u32 @!p1 s5, $0x6;
	[sflag:s0] =	ssyncset.done @p1 $0x0  }
0x4d: {  	p2 =	sne.s32 s2, s11;
	[sflag:s0] =	ssyncadd.s32 @p1 $0xFFFFD800;
	s0 =	sor.u32 @!p1 $0x1C03, s5  }
0x4e: {  	[hbm:s9], [sflag:s0] =	dma.local @!p1 [spmem:s20], $0x2700  }
.Ltmp3:
0x4f: {  	_ = 	snop;
	(pc) =	sbr.rel @p2 .LBB2_1-.Ltmp3, $4  }
0x50: {  	s0 =	simm.s32 @!p1 $0x3  }
0x51: {  	_ =	swait.ge @!p1 [sflag:s0], $0x2700  }
0x52: {  	[sflag:s0] =	ssyncset.done @!p1 $0x0  }
0x53: {  	[sflag:s0] =	ssyncadd.s32 @!p1 $0xFFFFD900  }
0x54: {  	_ =	sfence.sel $0x180000  }
0x55: {  	[bflag:$0x0] =	sbarrier.arrive $0xFFFF  }
0x56: {  	_ =	strace $0x90000047  }
0x57: {  	[bflag:$0x2] =	sbarrier.arrive $0xFFFF  }
0x58: {  	s0 =	rddreg [dreg:$0x2]  }
0x59: {  	s0 =	sadd.s32 @!p0 $0x100000, s0  }
0x5a: {  	[sflag:s0] =	ssyncadd.tile.s32 @!p0 $0x1;
	_ =	shalt  }
.Lfunc_end2:
_tile_overlayer_lowered:
.L_overlay_start_2:
0x5b: {  	(tag) =	ssettag $0x2  }
0x5c: {  	s0 =	rddreg [dreg:$0x0];
	s2 =	stileid.u32  }
0x5d: {  	s1 =	rddreg [dreg:$0x1];
	p0 =	sne.s32 s2, $0x0  }
0x5e: {  	s3 =	rddreg [dreg:$0x2];
	[bflag:$0x3] =	sbarrier.arrive $0xFFFF;
	s2 =	simm.s32 @!p0 $0x1C03  }
0x5f: {  	[timem:s3], [sflag:s2] =	dma.local @!p0 [hbm:s0], s1  }
0x60: {  	s0 =	simm.s32 @!p0 $0x3  }
0x61: {  	_ =	swait.ge @!p0 [sflag:s0], s1  }
0x62: {  	s1 =	ssub.s32 @!p0 $0x0, s1;
	[sflag:s0] =	ssyncset.done @!p0 $0x0  }
0x63: {  	[sflag:s0] =	ssyncadd.s32 @!p0 s1  }
0x64: {  	[bflag:$0x3] =	sbarrier.arrive $0xFFFF  }
0x65: {  	_ =	shalt  }

// kernel: kernel.9.cloned.1.call-start
scs
__scs_entry_jumppad:
0x0: {  	(pc) =	sbr.rel $0x88, $3  }
0x1: {  	(tag) =	ssettag $0x0;
	lr =	simm.s32 $0x1  }
0x2: {  	[smem:$0x3F93] =	sst lr;
	_ =	strace $0xD0000000  }
0x3: {  	_ = 	snop  }
0x4: {  	_ = 	snop  }
0x5: {  	_ = 	snop  }
0x6: {  	_ = 	snop  }
0x7: {  	_ = 	snop  }
__scs_overlays_trampoline_lowered:
0x8: {  	[smem:$0x3FA2] =	sst s0  }
0x9: {  	[smem:$0x3FA3] =	sst s1  }
0xa: {  	[smem:$0x3FA4] =	sst s2  }
0xb: {  	[smem:$0x3FA5] =	sst s3  }
0xc: {  	[smem:$0x3FA6] =	sst s4  }
0xd: {  	[smem:$0x3FA7] =	sst s5  }
0xe: {  	[smem:$0x3FA8] =	sst s6  }
0xf: {  	[smem:$0x3FA9] =	sst s7  }
0x10: {  	[smem:$0x3FAA] =	sst s8  }
0x11: {  	[smem:$0x3FAB] =	sst s9;
	s0 =	simm.s32 @!p0 $0x0  }
0x12: {  	s1 =	sld [smem:$0x3F91];
	s0 =	simm.s32 @p0 $0x1  }
0x13: {  	[smem:$0x3FAC] =	sst s0;
	s0 =	simm.s32 @!p1 $0x0  }
0x14: {  	s2 =	sld [smem:$0x3F90];
	s0 =	simm.s32 @p1 $0x1  }
0x15: {  	[smem:$0x3FAD] =	sst s0;
	s0 =	simm.s32 @!p2 $0x0  }
0x16: {  	s3 =	sld [smem:$0x3FDB];
	s0 =	simm.s32 @p2 $0x1  }
0x17: {  	s4 =	simm.s32 $0x1BF5;
	[smem:$0x3FAF] =	sst s0  }
0x18: {  	s0 =	sld [smem:$0x3F92];
	_ =	swait.ge [sflag:s4], $0x0  }
0x19: {  	s7 =	sld [smem:$0x3F93]  }
0x1a: {  	s8 =	sadd.s32 $0xFFFFE003, lr  }
0x1b: {  	s9 =	sadd.s32 $0xFFFFFEF7, lr;
	s5 =	simm.s32 $0xFFFFFFFF;
	p2 =	slt.u32 s8, $0xFFFFF086  }
0x1c: {  	p1 =	slt.u32 s9, $0xF7A;
	s5 =	simm.s32 @!p2 $0x0  }
0x1d: {  	s5 =	simm.s32 @p1 $0x1;
	p0 =	seq.s32 s7, s2  }
0x1e: {  	s7 =	smul.u32 @!p0 $0xF7A, s2;
	p2 =	seq.s32 @!p0 s5, $0x0  }
0x1f: {  	s9 =	smul.u32 $0xF7A, s1;
	s8 =	simm.s32 @!p0 $0x1BF5;
	p2 =	por !p2, p0  }
0x20: {  	[sflag:s8] =	ssyncset.s32 @!p0 $0xFFFFF086;
	s6 =	sadd.s32 @!p0 s3, s7;
	s7 =	simm.s32 @!p0 $0x108  }
0x21: {  	s3 =	sadd.s32 s3, s9;
	s6 =	sadd.s32 @!p0 $0x88, s6;
	s7 =	simm.s32 @p2 $0x1082  }
0x22: {  	[simem:s7], [sflag:s8] =	dma.local @!p0 [hbm:s6], $0xF7A  }
0x23: {  	s9 =	sor.u32 $0xD0000000, s2;
	s6 =	simm.s32 $0x108;
	_ =	swait.ge @!p0 [sflag:s8], $0x0  }
0x24: {  	s3 =	sadd.s32 $0x88, s3;
	s6 =	simm.s32 @!p1 $0x1082;
	[sflag:s4] =	ssyncset.s32 $0xFFFFF086  }
0x25: {  	[simem:s6], [sflag:s4] =	dma.local [hbm:s3], $0xF7A  }
0x26: {  	[smem:$0x3F93] =	sst s1;
	(tag) =	ssettag s2;
	_ =	strace s9  }
0x27: {  	s1 =	sld [smem:$0x3FA3]  }
0x28: {  	s2 =	sld [smem:$0x3FA4]  }
0x29: {  	s4 =	sld [smem:$0x3FA6]  }
0x2a: {  	p0 =	seq.s32 s5, $0x0;
	s5 =	sld [smem:$0x3FA7]  }
0x2b: {  	s6 =	sld [smem:$0x3FA8]  }
0x2c: {  	s7 =	sld [smem:$0x3FA9]  }
0x2d: {  	s3 =	simm.s32 $0x108;
	s8 =	sld [smem:$0x3FAA]  }
0x2e: {  	s3 =	simm.s32 @!p0 $0x1082;
	s9 =	sld [smem:$0x3FAB]  }
0x2f: {  	lr =	sadd.s32 s0, s3;
	s0 =	sld [smem:$0x3FA2]  }
0x30: {  	s3 =	sld [smem:$0x3FA5]  }
0x31: {  	[smem:$0x3FAE] =	sst s10  }
0x32: {  	s10 =	sld [smem:$0x3FAC];
	_ =	sdelay $0x3  }
0x33: {  	p0 =	seq.s32 s10, $0x1;
	s10 =	sld [smem:$0x3FAE];
	_ =	sdelay $0x3  }
0x34: {  	[smem:$0x3FAE] =	sst s10  }
0x35: {  	s10 =	sld [smem:$0x3FAD];
	_ =	sdelay $0x3  }
0x36: {  	p1 =	seq.s32 s10, $0x1;
	s10 =	sld [smem:$0x3FAE];
	_ =	sdelay $0x3  }
0x37: {  	[smem:$0x3FAE] =	sst s10  }
0x38: {  	s10 =	sld [smem:$0x3FAF]  }
0x39: {  	_ = 	snop;
	(pc) =	sbr.ind lr, $3  }
0x3a: {  	_ = 	snop  }
0x3b: {  	_ = 	snop  }
0x3c: {  	p2 =	seq.s32 s10, $0x1;
	s10 =	sld [smem:$0x3FAE]  }
0x3d: {  	_ =	shalt  }
0x3e: {  	_ =	shalt  }
0x3f: {  	_ =	shalt  }
0x40: {  	_ =	shalt  }
0x41: {  	_ =	shalt  }
0x42: {  	_ =	shalt  }
0x43: {  	_ =	shalt  }
0x44: {  	_ =	shalt  }
0x45: {  	_ =	shalt  }
0x46: {  	_ =	shalt  }
0x47: {  	_ =	shalt  }
0x48: {  	_ =	shalt  }
0x49: {  	_ =	shalt  }
0x4a: {  	_ =	shalt  }
0x4b: {  	_ =	shalt  }
0x4c: {  	_ =	shalt  }
0x4d: {  	_ =	shalt  }
0x4e: {  	_ =	shalt  }
0x4f: {  	_ =	shalt  }
0x50: {  	_ =	shalt  }
0x51: {  	_ =	shalt  }
0x52: {  	_ =	shalt  }
0x53: {  	_ =	shalt  }
0x54: {  	_ =	shalt  }
0x55: {  	_ =	shalt  }
0x56: {  	_ =	shalt  }
0x57: {  	_ =	shalt  }
0x58: {  	_ =	shalt  }
0x59: {  	_ =	shalt  }
0x5a: {  	_ =	shalt  }
0x5b: {  	_ =	shalt  }
0x5c: {  	_ =	shalt  }
0x5d: {  	_ =	shalt  }
0x5e: {  	_ =	shalt  }
0x5f: {  	_ =	shalt  }
0x60: {  	_ =	shalt  }
0x61: {  	_ =	shalt  }
0x62: {  	_ =	shalt  }
0x63: {  	_ =	shalt  }
0x64: {  	_ =	shalt  }
0x65: {  	_ =	shalt  }
0x66: {  	_ =	shalt  }
0x67: {  	_ =	shalt  }
0x68: {  	_ =	shalt  }
0x69: {  	_ =	shalt  }
0x6a: {  	_ =	shalt  }
0x6b: {  	_ =	shalt  }
0x6c: {  	_ =	shalt  }
0x6d: {  	_ =	shalt  }
0x6e: {  	_ =	shalt  }
0x6f: {  	_ =	shalt  }
0x70: {  	_ =	shalt  }
0x71: {  	_ =	shalt  }
0x72: {  	_ =	shalt  }
0x73: {  	_ =	shalt  }
0x74: {  	_ =	shalt  }
0x75: {  	_ =	shalt  }
0x76: {  	_ =	shalt  }
0x77: {  	_ =	shalt  }
0x78: {  	_ =	shalt  }
0x79: {  	_ =	shalt  }
0x7a: {  	_ =	shalt  }
0x7b: {  	_ =	shalt  }
0x7c: {  	_ =	shalt  }
0x7d: {  	_ =	shalt  }
0x7e: {  	_ =	shalt  }
0x7f: {  	_ =	shalt  }
0x80: {  	_ =	shalt  }
0x81: {  	_ =	shalt  }
0x82: {  	_ =	shalt  }
0x83: {  	_ =	shalt  }
0x84: {  	_ =	shalt  }
0x85: {  	_ =	shalt  }
0x86: {  	_ =	shalt  }
0x87: {  	_ =	shalt  }
.Lfunc_end0:
.L_simem_size_0:
called_computation.1_lowered:
.L_overlay_start_0:
0x88: {  	s2 =	sld [smem:$0x3FD9]  }
0x89: {  	s3 =	sld [smem:$0x3FFE];
	_ =	sdelay $0x1  }
0x8a: {  	s1 =	srdreg.scid  }
0x8b: {  	s0 =	sand.u32 $0x1, s1  }
0x8c: {  	s14 =	sshll.u32 s0, $0xA;
	s2 =	sadd.s32 s3, s2  }
0x8d: {  	s2 =	sadd.s32 s2, s14  }
0x8e: {  	[smem:$0x3FBA] =	sst s2  }
0x8f: {  	_ = 	snop  }
0x90: {  	s2 =	sld [smem:$0x3FD0];
	_ =	sdelay $0x2  }
0x91: {  	s15 =	simm.s32 $0xA;
	s4 =	simm.s32 $0x10  }
0x92: {  	[smem:s4], [sflag:s15] =	dma.local [hbm:s2], $0x1  }
0x93: {  	_ =	swait.eq [sflag:s15], $0x1  }
0x94: {  	[sflag:s15] =	ssyncset.done $0x0  }
0x95: {  	[sflag:s15] =	ssyncadd.s32 $0xFFFFFFFF  }
0x96: {  	s16 =	sld [smem:$0x10];
	(tm) =	ssettm $0x1  }
0x97: {  	s17 =	sld [smem:$0x3FFB];
	_ =	sdelay $0x3  }
0x98: {  	_ =	strace s17  }
0x99: {  	s3 =	sld [smem:$0x3FFC];
	_ =	sdelay $0x3  }
0x9a: {  	_ =	strace s3  }
0x9b: {  	s3 =	sld [smem:$0x3FFD];
	_ =	sdelay $0x3  }
0x9c: {  	_ =	strace s3  }
0x9d: {  	_ =	strace $0x8FFFFFFF  }
0x9e: {  	s18 =	sld [smem:$0x3FDB];
	_ =	sdelay $0x1  }
0x9f: {  	s19 =	simm.s32 $_scs_section_size  }
0xa0: {  	s5 =	simm.s32 $_size__tile_overlayer_lowered;
	s6 =	simm.s32 $_tile_overlayer_lowered  }
0xa1: {  	s22 =	simm.s32 $0x1BFF;
	s21 =	sshll.u32 s6, $0x1;
	s3 =	sadd.s32 s19, s18  }
0xa2: {  	s7 =	simm.s32 $0x0;
	s20 =	sshll.u32 s5, $0x1;
	s5 =	sadd.s32 s21, s3  }
0xa3: {  	[timem:s7], [sflag:s22] =	dma.local [hbm:s5], s20  }
0xa4: {  	_ =	swait.ge [sflag:s22], s20  }
0xa5: {  	s4 =	ssub.s32 $0x0, s20;
	[sflag:s22] =	ssyncset.done $0x0  }
0xa6: {  	[sflag:s22] =	ssyncadd.s32 s4;
	_ =	sdelay $0x1  }
0xa7: {  	s23 =	simm.s32 $0x1B8B  }
0xa8: {  	_ =	swait.ge [sflag:s23], $0x1  }
0xa9: {  	[sflag:s23] =	ssyncset.done $0x0  }
0xaa: {  	s25 =	simm.s32 $0x1B8E;
	s24 =	sld [smem:$0x3FFE];
	[sflag:s23] =	ssyncadd.s32 $0xFFFFFFFF  }
0xab: {  	s26 =	simm.s32 $execute0_lowered;
	[smem:$0x3FD2] =	sst s25  }
0xac: {  	s5 =	sshll.u32 s26, $0x1;
	_ =	strace $0x80000049;
	[dreg:$0x1] =	wrdreg $0xFFFFFFFF  }
0xad: {  	s28 =	simm.s32 $_size_execute0_lowered;
	s3 =	sadd.s32 s3, s5;
	[dreg:$0x0] =	wrdreg $0x0  }
0xae: {  	s5 =	sshll.u32 s28, $0x1;
	[dreg:$0x2] =	wrdreg s3  }
0xaf: {  	[dreg:$0x3] =	wrdreg s5  }
0xb0: {  	[dreg:$0x4] =	wrdreg $0xC0  }
0xb1: {  	_ =	task [dreg:s7], $0x5FFFF  }
0xb2: {  	[dreg:$0x1] =	wrdreg $0xFFFFFFFF  }
0xb3: {  	[dreg:$0x0] =	wrdreg $0x60  }
0xb4: {  	[dreg:$0x2] =	wrdreg s24  }
0xb5: {  	[dreg:$0x3] =	wrdreg s16  }
0xb6: {  	[dreg:$0x4] =	wrdreg $0xC0000  }
0xb7: {  	[dreg:$0x5] =	wrdreg $0x9  }
0xb8: {  	_ =	task.clear_ibuf [dreg:s7], $0x6FFFF;
	_ =	strace $0x90000049  }
0xb9: {  	s29 =	simm.s32 $0x9;
	_ =	strace $0x8000004B  }
0xba: {  	_ =	swait.ge [sflag:s29], $0x1  }
0xbb: {  	[sflag:s29] =	ssyncadd.s32 $0xFFFFFFFF  }
0xbc: {  	_ =	strace $0x9000004B  }
0xbd: {  	_ =	sfence  }
0xbe: {  	s30 =	sld [smem:$0x0];
	_ =	sdelay $0x2  }
0xbf: {  	s31 =	sshll.u32 s1, $0xD;
	s1 =	sshrl.u32 s1, $0x2  }
0xc0: {  	s3 =	sand.u32 $0x4000, s31;
	s1 =	sadd.s32 s1, s30  }
0xc1: {  	s0 =	sor.u32 s3, s0;
	s1 =	sshll.u32 s1, $0x11  }
0xc2: {  	s0 =	sor.u32 s1, s0  }
0xc3: {  	s0 =	sadd.s32 $0x8F2B, s0  }
0xc4: {  	[sflag:s0] =	ssyncadd.remote.s32 $0x1  }
0xc5: {  	_ =	sfence.sel $0xFFFF  }
0xc6: {  	[dreg:$0x0] =	wrdreg $0xFFFFFFFF;
	(pc) =	sbr.abs _section_cstart, $3  }
0xc7: {  	[dreg:$0x1] =	wrdreg $0xFFFFFFFF  }
0xc8: {  	_ =	task.clear_ibuf [dreg:s7], $0x2FFFF;
	_ =	strace $0x9FFFFFFF  }
0xc9: {  	(tm) =	ssettm $0x7FFFFFFF  }
tec
execute0_lowered:
.L_overlay_start_1:
0x0: {  	(tag) =	ssettag $0x1  }
0x1: {  	s5 =	rddreg [dreg:$0x0]  }
0x2: {  	s1 =	srdreg.scid;
	s0 =	rddreg [dreg:$0x1]  }
0x3: {  	s2 =	stileid.u32;
	s3 =	rddreg [dreg:$0x2]  }
0x4: {  	s4 =	simm.s32 $0x0;
	s13 =	simm.s32 $0x4F;
	s15 =	simm.s32 $0x4000  }
0x5: {  	s16 =	simm.s32 $0x100;
	s17 =	simm.s32 $0x8000;
	s18 =	simm.s32 $0x1  }
0x6: {  	s19 =	simm.s32 $0x2;
	s21 =	simm.s32 $0x3F80;
	s8 =	smul.u32 $0x4E, s2  }
0x7: {  	s24 =	simm.s32 $0x0;
	s6 =	sand.u32 $0x1, s1;
	s10 =	smul.u32 $0x4E000, s2  }
0x8: {  	[smem:$0x7FF] =	sst s4;
	s25 =	smin.u32 s2, $0x2;
	s12 =	smul.u32 $0x2700, s2  }
0x9: {  	p0 =	slt.u32 s2, $0x2;
	s14 =	sadd.s32 $0x3600, s5;
	s7 =	smul.u32 $0x4E2, s6  }
0xa: {  	s22 =	sadd.s32 $0x124800, s3;
	p1 =	seq.s32 s2, $0xF;
	s26 =	smul.u32 $0x27100, s6  }
0xb: {  	_ =	strace $0x8000004A;
	s9 =	ssub.s32 $0x2, s6;
	s6 =	smul.u32 $0x138800, s6  }
0xc: {  	s13 =	simm.s32 @!p0 $0x4E;
	p0 =	sne.s32 s2, $0x0;
	s22 =	sshrl.u32 @p1 s22, $0x3  }
0xd: {  	s28 =	sshrl.u32 s9, $0x1;
	s29 =	sshrl.u32 s10, $0x2;
	s30 =	sshll.u32 s13, $0xA  }
0xe: {  	s10 =	sadd.s32 $0xFFFFFFC0, s13;
	s13 =	simm.s32 $0x3;
	s7 =	sadd.s32 s8, s7  }
0xf: {  	s8 =	sadd.s32 s12, s26;
	s6 =	sshrl.u32 s6, $0x3;
	s23 =	sadd.s32 s29, s3  }
0x10: {  	s31 =	sadd.s32 $0xFFFF0400, s30;
	s12 =	sshrl.u32 @!p0 s3, $0x3;
	s7 =	sadd.s32 s25, s7  }
0x11: {  	s6 =	sadd.s32 s14, s6;
	s23 =	sshrl.u32 @!p1 s23, $0x3;
	s7 =	sshll.u32 s7, $0x5  }
0x12: {  	s6 =	sadd.s32 $0x24900, s6;
	s11 =	sadd.s32 s7, s5;
	s7 =	ssub.s32 s9, s28  }
0x13: {  	s5 =	sadd.s32 s14, s8;
	s14 =	simm.s32 $0x80;
	s7 =	smax.u32 s7, $0x1  }
0x14: {  	s8 =	sadd.s32 $0xC7400, s11;
	s9 =	sadd.s32 $0xC7C00, s11;
	s11 =	sand.u32 $0x7800, s31  }
.LBB2_1:
0x15: {  	s25 =	simm.s32 @!p0 $0x1C03  }
0x16: {  	[spmem:s12], [sflag:s25] =	dma.local @!p0 [hbm:s0], $0x27100  }
0x17: {  	s25 =	simm.s32 @!p0 $0x3  }
0x18: {  	_ =	swait.ge @!p0 [sflag:s25], $0x27100  }
0x19: {  	[sflag:s25] =	ssyncset.done @!p0 $0x0  }
0x1a: {  	[sflag:s25] =	ssyncadd.s32 @!p0 $0xFFFD8F00  }
0x1b: {  	[bflag:$0x0] =	sbarrier.arrive $0xFFFF  }
0x1c: {  	[tilespmem:s4], [sflag:$0x3] =	stream.linear.gather [hbm4b:s8+s4], $0x4000, $0x38;
	[tilespmem:$0x1F880] =	vst v63  }
0x1d: {  	_ =	swait.ge [sflag:s13], $0x4000  }
0x1e: {  	[sflag:s13] =	ssyncset.done $0x0  }
0x1f: {  	[sflag:s13] =	ssyncadd.s32 $0xFFFFC000  }
0x20: {  	[tilespmem:s15], [sflag:$0x1] =	stream.indirect.gather [hbm4b:s0+s14], $0x80, s4, s14, $0xb8;
	[tilespmem:$0x1F880] =	vst v63  }
0x21: {  	_ = 	snop  }
0x22: {  	[tilespmem:s17], [sflag:$0x2] =	stream.indirect.gather [hbm4b:s0+s14], $0x80, s16, s14, $0xb8;
	[tilespmem:$0x1F880] =	vst v63  }
0x23: {  	_ =	swait.ge [sflag:s18], $0x4000  }
0x24: {  	[sflag:s18] =	ssyncset.done $0x0  }
0x25: {  	s29 =	simm.s32 $0x80;
	[sflag:s18] =	ssyncadd.s32 $0xFFFFC000  }
0x26: {  	[spmem:s3] =	stream.indirect.scatter.add.f32 [tilespmem:s15], [sflag:$0x3], $0x80, s29, s14, $0xb8;
	[tilespmem:$0x1F880] =	vst v63  }
0x27: {  	_ =	swait.ge [sflag:s13], $0x4000  }
0x28: {  	[sflag:s13] =	ssyncset.done $0x0  }
0x29: {  	s30 =	simm.s32 $0x200;
	[sflag:s13] =	ssyncadd.s32 $0xFFFFC000  }
0x2a: {  	[tilespmem:s15], [sflag:$0x1] =	stream.indirect.gather [hbm4b:s0+s14], $0x80, s30, s14, $0xb8;
	[tilespmem:$0x1F880] =	vst v63  }
0x2b: {  	_ =	swait.ge [sflag:s19], $0x4000  }
0x2c: {  	[sflag:s19] =	ssyncset.done $0x0  }
0x2d: {  	s31 =	simm.s32 $0x180;
	[sflag:s19] =	ssyncadd.s32 $0xFFFFC000  }
0x2e: {  	[spmem:s3] =	stream.indirect.scatter.add.f32 [tilespmem:s17], [sflag:$0x3], $0x80, s31, s14, $0xb8;
	[tilespmem:$0x1F880] =	vst v63  }
0x2f: {  	_ =	swait.ge [sflag:s13], $0x4000  }
0x30: {  	[sflag:s13] =	ssyncset.done $0x0  }
0x31: {  	s26 =	simm.s32 $0x300;
	s25 =	simm.s32 $0xFFFF1000;
	[sflag:s13] =	ssyncadd.s32 $0xFFFFC000  }
.LBB2_2:
0x32: {  	[tilespmem:s17], [sflag:$0x2] =	stream.indirect.gather [hbm4b:s0+s14], $0x80, s26, s14, $0xb8;
	[tilespmem:$0x1F880] =	vst v63  }
0x33: {  	s26 =	smov.u32 s25  }
0x34: {  	p2 =	sne.s32 s25, $0xFFFFF800;
	s25 =	sadd.s32 $0x800, s25;
	_ =	swait.ge [sflag:s18], $0x4000  }
0x35: {  	s26 =	sshra.s32 s26, $0x2;
	[sflag:s18] =	ssyncset.done $0x0  }
0x36: {  	s28 =	sadd.s32 $0x3E80, s26;
	[sflag:s18] =	ssyncadd.s32 $0xFFFFC000  }
0x37: {  	[spmem:s3] =	stream.indirect.scatter.add.f32 [tilespmem:s15], [sflag:$0x3], $0x80, s28, s14, $0xb8;
	[tilespmem:$0x1F880] =	vst v63  }
0x38: {  	_ =	swait.ge [sflag:s13], $0x4000  }
0x39: {  	[sflag:s13] =	ssyncset.done $0x0  }
0x3a: {  	s28 =	sadd.s32 $0x4000, s26;
	[sflag:s13] =	ssyncadd.s32 $0xFFFFC000  }
0x3b: {  	[tilespmem:s15], [sflag:$0x1] =	stream.indirect.gather [hbm4b:s0+s14], $0x80, s28, s14, $0xb8;
	[tilespmem:$0x1F880] =	vst v63  }
0x3c: {  	_ =	swait.ge [sflag:s19], $0x4000  }
0x3d: {  	[sflag:s19] =	ssyncset.done $0x0  }
.Ltmp0:
0x3e: {  	s28 =	sadd.s32 $0x3F80, s26;
	[sflag:s19] =	ssyncadd.s32 $0xFFFFC000;
	(pc) =	sbr.rel @p2 .LBB2_2-.Ltmp0, $4  }
0x3f: {  	[spmem:s3] =	stream.indirect.scatter.add.f32 [tilespmem:s17], [sflag:$0x3], $0x80, s28, s14, $0xb8;
	[tilespmem:$0x1F880] =	vst v63  }
0x40: {  	_ =	swait.ge [sflag:s13], $0x4000  }
0x41: {  	[sflag:s13] =	ssyncset.done $0x0  }
0x42: {  	s26 =	sadd.s32 $0x4100, s26;
	[sflag:s13] =	ssyncadd.s32 $0xFFFFC000  }
0x43: {  	[tilespmem:s17], [sflag:$0x2] =	stream.indirect.gather [hbm4b:s0+s14], $0x80, s26, s14, $0xb8;
	[tilespmem:$0x1F880] =	vst v63  }
0x44: {  	_ =	swait.ge [sflag:s18], $0x4000  }
0x45: {  	[sflag:s18] =	ssyncset.done $0x0  }
0x46: {  	s1 =	simm.s32 $0x3E80;
	s30 =	simm.s32 $0x3;
	[sflag:s18] =	ssyncadd.s32 $0xFFFFC000  }
0x47: {  	[spmem:s3] =	stream.indirect.scatter.add.f32 [tilespmem:s15], [sflag:$0x3], $0x80, s1, s14, $0xb8;
	[tilespmem:$0x1F880] =	vst v63  }
0x48: {  	_ =	swait.ge [sflag:s30], $0x4000  }
0x49: {  	[sflag:s30] =	ssyncset.done $0x0  }
0x4a: {  	[sflag:s30] =	ssyncadd.s32 $0xFFFFC000  }
0x4b: {  	_ =	swait.ge [sflag:s19], $0x4000  }
0x4c: {  	[sflag:s19] =	ssyncset.done $0x0  }
0x4d: {  	[sflag:s19] =	ssyncadd.s32 $0xFFFFC000  }
0x4e: {  	[spmem:s3] =	stream.indirect.scatter.add.f32 [tilespmem:s17], [sflag:$0x3], $0x80, s21, s14, $0xb8;
	[tilespmem:$0x1F880] =	vst v63  }
0x4f: {  	_ =	swait.ge [sflag:s30], $0x4000  }
0x50: {  	[sflag:s30] =	ssyncset.done $0x0  }
0x51: {  	s25 =	simm.s32 $0x0;
	[sflag:s30] =	ssyncadd.s32 $0xFFFFC000  }
0x52: {  	[tilespmem:s25], [sflag:$0x3] =	stream.linear.gather [hbm4b:s9+s25], $0x4000, $0x38;
	[tilespmem:$0x1F880] =	vst v63  }
0x53: {  	_ =	swait.ge [sflag:s30], $0x4000  }
0x54: {  	[sflag:s30] =	ssyncset.done $0x0  }
0x55: {  	[sflag:s30] =	ssyncadd.s32 $0xFFFFC000  }
0x56: {  	[tilespmem:s15], [sflag:$0x1] =	stream.indirect.gather [hbm4b:s0+s14], $0x80, s25, s14, $0xb8;
	[tilespmem:$0x1F880] =	vst v63  }
0x57: {  	_ = 	snop  }
0x58: {  	[tilespmem:s17], [sflag:$0x2] =	stream.indirect.gather [hbm4b:s0+s14], $0x80, s16, s14, $0xb8;
	[tilespmem:$0x1F880] =	vst v63  }
0x59: {  	_ =	swait.ge [sflag:s18], $0x4000  }
0x5a: {  	[sflag:s18] =	ssyncset.done $0x0  }
0x5b: {  	s31 =	simm.s32 $0x80;
	[sflag:s18] =	ssyncadd.s32 $0xFFFFC000  }
0x5c: {  	[spmem:s3] =	stream.indirect.scatter.add.f32 [tilespmem:s15], [sflag:$0x3], $0x80, s31, s14, $0xb8;
	[tilespmem:$0x1F880] =	vst v63  }
0x5d: {  	p3 =	sle.u32 s10, $0x2;
	p2 =	sle.u32 s10, $0x1;
	_ =	swait.ge [sflag:s13], $0x4000  }
0x5e: {  	s26 =	simm.s32 @!p3 $0x80;
	s28 =	simm.s32 @!p3 $0x200;
	[sflag:s13] =	ssyncset.done $0x0  }
0x5f: {  	s29 =	simm.s32 @!p3 $0x4000;
	s30 =	simm.s32 @!p2 $0x2;
	[sflag:s13] =	ssyncadd.s32 $0xFFFFC000  }
0x60: {  	[tilespmem:s29], [sflag:$0x1] =	stream.indirect.gather @!p3 [hbm4b:s0+s26], $0x80, s28, s26, $0xb8;
	[tilespmem:$0x1F880] =	vst v63  }
0x61: {  	p3 =	sne.s32 s11, $0x800;
	_ =	swait.ge @!p2 [sflag:s30], $0x4000  }
.Ltmp1:
0x62: {  	s26 =	simm.s32 @!p2 $0x180;
	[sflag:s30] =	ssyncset.done @!p2 $0x0;
	(pc) =	sbr.rel @!p3 .LBB2_5-.Ltmp1, $4  }
0x63: {  	s28 =	simm.s32 @!p2 $0x80;
	s29 =	simm.s32 @!p2 $0x8000;
	[sflag:s30] =	ssyncadd.s32 @!p2 $0xFFFFC000  }
0x64: {  	[spmem:s3] =	stream.indirect.scatter.add.f32 @!p2 [tilespmem:s29], [sflag:$0x3], $0x80, s26, s28, $0xb8;
	[tilespmem:$0x1F880] =	vst v63  }
0x65: {  	p4 =	sle.u32 s10, $0x3;
	s29 =	simm.s32 @!p2 $0x3  }
0x66: {  	s26 =	simm.s32 $0x800;
	s28 =	simm.s32 $0x5;
	_ =	swait.ge @!p2 [sflag:s29], $0x4000  }
.LBB2_4:
0x67: {  	[sflag:s29] =	ssyncset.done @!p2 $0x0  }
0x68: {  	s30 =	sshra.s32 @!p4 s25, $0x2;
	s25 =	smov.u32 s26;
	s26 =	sadd.s32 $0x800, s26  }
0x69: {  	s31 =	simm.s32 @!p4 $0x8000;
	[sflag:s29] =	ssyncadd.s32 @!p2 $0xFFFFC000;
	s29 =	simm.s32 @!p4 $0x80  }
0x6a: {  	s1 =	sshra.s32 s25, $0x2;
	p3 =	sne.s32 s11, s26;
	s30 =	sadd.s32 @!p4 $0x300, s30  }
0x6b: {  	[tilespmem:s31], [sflag:$0x2] =	stream.indirect.gather @!p4 [hbm4b:s0+s29], $0x80, s30, s29, $0xb8;
	[tilespmem:$0x1F880] =	vst v63  }
0x6c: {  	s1 =	sadd.s32 $0x80, s1;
	s29 =	sadd.s32 $0xFFFFFFFF, s28;
	_ =	swait.ge [sflag:s18], $0x4000  }
0x6d: {  	p4 =	sge.u32 s29, s10;
	[sflag:s18] =	ssyncset.done $0x0  }
0x6e: {  	s29 =	sshra.s32 @!p4 s25, $0x2;
	s30 =	simm.s32 @!p4 $0x80;
	[sflag:s18] =	ssyncadd.s32 $0xFFFFC000  }
0x6f: {  	[spmem:s3] =	stream.indirect.scatter.add.f32 [tilespmem:s15], [sflag:$0x3], $0x80, s1, s14, $0xb8;
	[tilespmem:$0x1F880] =	vst v63  }
0x70: {  	s1 =	sadd.s32 @!p4 $0x200, s29;
	s29 =	sadd.s32 $0xFFFFFFFE, s28;
	_ =	swait.ge [sflag:s13], $0x4000  }
0x71: {  	s31 =	simm.s32 @!p4 $0x4000;
	p2 =	sge.u32 s29, s10;
	[sflag:s13] =	ssyncset.done $0x0  }
0x72: {  	s20 =	simm.s32 @!p2 $0x2;
	s29 =	sshra.s32 @!p2 s25, $0x2;
	[sflag:s13] =	ssyncadd.s32 $0xFFFFC000  }
0x73: {  	[tilespmem:s31], [sflag:$0x1] =	stream.indirect.gather @!p4 [hbm4b:s0+s30], $0x80, s1, s30, $0xb8;
	[tilespmem:$0x1F880] =	vst v63  }
.Ltmp2:
0x74: {  	s1 =	sadd.s32 @!p2 $0x180, s29;
	_ =	swait.ge @!p2 [sflag:s20], $0x4000;
	(pc) =	sbr.rel @p3 .LBB2_4-.Ltmp2, $4  }
0x75: {  	s29 =	simm.s32 @!p2 $0x3;
	[sflag:s20] =	ssyncset.done @!p2 $0x0  }
0x76: {  	s30 =	simm.s32 @!p2 $0x8000;
	[sflag:s20] =	ssyncadd.s32 @!p2 $0xFFFFC000;
	s20 =	simm.s32 @!p2 $0x80  }
0x77: {  	[spmem:s3] =	stream.indirect.scatter.add.f32 @!p2 [tilespmem:s30], [sflag:$0x3], $0x80, s1, s20, $0xb8;
	[tilespmem:$0x1F880] =	vst v63  }
0x78: {  	p4 =	sge.u32 s28, s10;
	s28 =	sadd.s32 $0x2, s28;
	_ =	swait.ge @!p2 [sflag:s29], $0x4000  }
.LBB2_5:
0x79: {  	[sflag:s29] =	ssyncset.done @!p2 $0x0;
	s1 =	sshra.s32 @!p4 s25, $0x2;
	s20 =	simm.s32 @!p4 $0x80  }
0x7a: {  	s25 =	simm.s32 @!p4 $0x8000;
	[sflag:s29] =	ssyncadd.s32 @!p2 $0xFFFFC000;
	s1 =	sadd.s32 @!p4 $0x300, s1  }
0x7b: {  	[tilespmem:s25], [sflag:$0x2] =	stream.indirect.gather @!p4 [hbm4b:s0+s20], $0x80, s1, s20, $0xb8;
	[tilespmem:$0x1F880] =	vst v63  }
0x7c: {  	s1 =	simm.s32 @p1 $0x1FC3;
	[bflag:$0x0] =	sbarrier.arrive $0xFFFF  }
0x7d: {  	[hbm:s6], [sflag:s1] =	dma.local @p1 [spmem:s22], $0x2800  }
0x7e: {  	s1 =	simm.s32 @p1 $0x3  }
0x7f: {  	_ =	swait.ge @p1 [sflag:s1], $0x2800  }
0x80: {  	s24 =	sadd.s32 $0x1, s24;
	s20 =	sshll.u32 @!p1 s2, $0x6;
	[sflag:s1] =	ssyncset.done @p1 $0x0  }
0x81: {  	p2 =	sne.s32 s24, s7;
	[sflag:s1] =	ssyncadd.s32 @p1 $0xFFFFD800;
	s1 =	sor.u32 @!p1 $0x1C03, s20  }
0x82: {  	[hbm:s5], [sflag:s1] =	dma.local @!p1 [spmem:s23], $0x2700  }
.Ltmp3:
0x83: {  	_ = 	snop;
	(pc) =	sbr.rel @p2 .LBB2_1-.Ltmp3, $4  }
0x84: {  	s1 =	simm.s32 @!p1 $0x3  }
0x85: {  	_ =	swait.ge @!p1 [sflag:s1], $0x2700  }
0x86: {  	[sflag:s1] =	ssyncset.done @!p1 $0x0  }
0x87: {  	[sflag:s1] =	ssyncadd.s32 @!p1 $0xFFFFD900  }
0x88: {  	_ =	sfence.sel $0x180000  }
0x89: {  	[bflag:$0x0] =	sbarrier.arrive $0xFFFF  }
0x8a: {  	_ =	strace $0x9000004A  }
0x8b: {  	[bflag:$0x2] =	sbarrier.arrive $0xFFFF  }
0x8c: {  	s0 =	rddreg [dreg:$0x3]  }
0x8d: {  	s0 =	sadd.s32 @!p0 $0x100000, s0  }
0x8e: {  	[sflag:s0] =	ssyncadd.tile.s32 @!p0 $0x1;
	_ =	shalt  }
.Lfunc_end2:
_tile_overlayer_lowered:
.L_overlay_start_2:
0x8f: {  	(tag) =	ssettag $0x2  }
0x90: {  	s0 =	rddreg [dreg:$0x0];
	s2 =	stileid.u32  }
0x91: {  	s1 =	rddreg [dreg:$0x1];
	p0 =	sne.s32 s2, $0x0  }
0x92: {  	s3 =	rddreg [dreg:$0x2];
	[bflag:$0x3] =	sbarrier.arrive $0xFFFF;
	s2 =	simm.s32 @!p0 $0x1C03  }
0x93: {  	[timem:s3], [sflag:s2] =	dma.local @!p0 [hbm:s0], s1  }
0x94: {  	s0 =	simm.s32 @!p0 $0x3  }
0x95: {  	_ =	swait.ge @!p0 [sflag:s0], s1  }
0x96: {  	s1 =	ssub.s32 @!p0 $0x0, s1;
	[sflag:s0] =	ssyncset.done @!p0 $0x0  }
0x97: {  	[sflag:s0] =	ssyncadd.s32 @!p0 s1  }
0x98: {  	[bflag:$0x3] =	sbarrier.arrive $0xFFFF  }
0x99: {  	_ =	shalt  }

</sc_bundles>
